<compile_context>
chip_gen: v7x
topology: tpu7x:2x2x1
jax: 0.10.2.dev20260603
libtpu: 0.0.44.dev20260713+nightly
codegen_flags: <defaults>
</compile_context>

<pallas_src>
import functools

import jax
import jax.numpy as jnp
from jax import lax
from jax.experimental import pallas as pl
from jax.experimental.pallas import tpu as pltpu
from jax.experimental.pallas import tpu_sc as plsc

NC = 2
NS = 16
NW = NC * NS

SUB = 128
K = 5
NBUF = 2


def _build_gather(n_groups: int, d: int):
  groups_per_w = n_groups // NW
  steps = groups_per_w // K
  outer = steps // NBUF

  mesh = plsc.VectorSubcoreMesh(core_axis_name="c", subcore_axis_name="s")

  @functools.partial(
      pl.kernel,
      out_type=jax.ShapeDtypeStruct((n_groups, SUB, d), jnp.float32),
      mesh=mesh,
      compiler_params=pltpu.CompilerParams(use_tc_tiling_on_sc=False),
      scratch_types=[
          pltpu.VMEM((NBUF, K, SUB), jnp.int32),
          pltpu.VMEM((NBUF, K, SUB, d), jnp.float32),
          pltpu.SemaphoreType.DMA((NBUF,)),
          pltpu.SemaphoreType.DMA((NBUF,)),
          pltpu.SemaphoreType.DMA((NBUF,)),
      ],
  )
  def gather_kernel(table_hbm, idx_hbm, out_hbm, idx_v, rows_v,
                    sem_i, sem_g, sem_w):
    wid = lax.axis_index("s") * NC + lax.axis_index("c")
    base = wid * groups_per_w

    for b in range(NBUF):
      pltpu.async_copy(idx_hbm.at[pl.ds(base + b * K, K)], idx_v.at[b],
                       sem_i.at[b])

    @pl.loop(0, outer)
    def _(t):
      for b in range(NBUF):
        g = t * NBUF + b
        rb = base + g * K
        pltpu.make_async_copy(idx_hbm.at[pl.ds(rb, K)], idx_v.at[b],
                              sem_i.at[b]).wait()
        @pl.when(t >= 1)
        def _():
          pltpu.make_async_copy(rows_v.at[b],
                                out_hbm.at[pl.ds(rb - NBUF * K, K)],
                                sem_w.at[b]).wait()
        copies = [
            pltpu.async_copy(table_hbm.at[idx_v.at[b, j]], rows_v.at[b, j],
                             sem_g.at[b])
            for j in range(K)
        ]
        for cp in copies:
          cp.wait()
        pltpu.async_copy(rows_v.at[b], out_hbm.at[pl.ds(rb, K)], sem_w.at[b])
        @pl.when(t < outer - 1)
        def _():
          pltpu.async_copy(idx_hbm.at[pl.ds(rb + NBUF * K, K)], idx_v.at[b],
                           sem_i.at[b])

    for b in range(NBUF):
      g = (outer - 1) * NBUF + b
      pltpu.make_async_copy(rows_v.at[b],
                            out_hbm.at[pl.ds(base + g * K, K)],
                            sem_w.at[b]).wait()

  return gather_kernel


def kernel(x, table):
  b, h = x.shape
  v, d = table.shape
  n = b * h
  assert n % (NW * K * SUB * NBUF) == 0
  idx = x.reshape(n // SUB, SUB).astype(jnp.int32)
  out = _build_gather(n // SUB, d)(table, idx)
  return out.reshape(b, h, d)

# --- scband reference (transcript-rebuilt; emitter-appended) ---
"""Pipeline reference for scband-shared-embedding-61220463837234 (READ-ONLY COPY).

The authoritative reference and input builder live on the scoring server;
editing this copy changes nothing except your own understanding.
"""

import jax, jax.numpy as jnp
import numpy as np

VOCAB = 1000000
D_MODEL = 64
BATCH = 16384
HIST = 50

def setup_inputs(seed: int = 0) -> dict:
    key = jax.random.key(seed)
    k_idx, k_tab = jax.random.split(key)
    x = jax.random.randint(k_idx, (BATCH, HIST), 0, VOCAB, dtype=jnp.int64) if jax.config.jax_enable_x64 else jax.random.randint(k_idx, (BATCH, HIST), 0, VOCAB, dtype=jnp.int32)
    table = jax.random.normal(k_tab, (VOCAB, D_MODEL), dtype=jnp.float32) * 0.02
    return {"x": x, "table": table}

def reference(x, table):
    # SharedEmbedding.forward: embedding lookup table[x]
    return jnp.take(table, x, axis=0)

if __name__ == "__main__":
    import jax
    _d = setup_inputs()
    print(jax.jit(kernel)(*tuple(_d.values())))

</pallas_src>

<mosaic_0001>
#map = affine_map<(d0, d1) -> (0, 0)>
#map1 = affine_map<(d0, d1) -> (0, 0, 0)>
module attributes {stable_mosaic.version = 14 : i64} {
  func.func @gather_kernel(%arg0: i32, %arg1: i32, %arg2: memref<1000000x64xf32, #tpu.memory_space<hbm>>, %arg3: memref<6400x128xi32, #tpu.memory_space<hbm>>, %arg4: memref<6400x128x64xf32, #tpu.memory_space<hbm>>, %arg5: memref<2x5x128xi32, #tpu.memory_space<vmem>>, %arg6: memref<2x5x128x64xf32, #tpu.memory_space<vmem>>, %arg7: memref<2x!tpu.dma_semaphore, #tpu.memory_space<semaphore_mem>>, %arg8: memref<2x!tpu.dma_semaphore, #tpu.memory_space<semaphore_mem>>, %arg9: memref<2x!tpu.dma_semaphore, #tpu.memory_space<semaphore_mem>>) attributes {dimension_semantics = [#tpu.dimension_semantics<core_parallel>, #tpu.dimension_semantics<subcore_parallel>], iteration_bounds = array<i64: 2, 16>, scalar_prefetch = 0 : i64, scratch_operands = 5 : i64, tpu.core_type = #tpu.core_type<sc_vector_subcore>, window_params = [{transform_indices = #map}, {transform_indices = #map}, {transform_indices = #map1}]} {
    %mul3A = arith.constant 2 : i32
    %mul3A_0 = arith.muli %arg1, %mul3A : i32
    %add3A = arith.addi %mul3A_0, %arg0 : i32
    %mul3A_1 = arith.constant 200 : i32
    %mul3A_2 = arith.muli %add3A, %mul3A_1 : i32
    %add3A_3 = arith.constant 0 : i32
    %add3A_4 = arith.addi %mul3A_2, %add3A_3 : i32
    %dma_start3A = arith.constant 0 : i32
    %dma_start3A_5 = arith.constant 0 : i32
    %dma_start3A_6 = arith.constant 0 : i32
    %dma_start3A_7 = arith.constant 0 : i32
    %dma_start3A_8 = tpu.memref_slice %arg5[%dma_start3A, %dma_start3A_6, %dma_start3A_7] : memref<2x5x128xi32, #tpu.memory_space<vmem>> -> memref<1x5x128xi32, #tpu.memory_space<vmem>>
    %dma_start3A_9 = tpu.memref_squeeze %dma_start3A_8 : memref<1x5x128xi32, #tpu.memory_space<vmem>> -> memref<5x128xi32, #tpu.memory_space<vmem>>
    %dma_start3A_10 = arith.constant 0 : i32
    %dma_start3A_11 = tpu.memref_slice %arg3[%add3A_4, %dma_start3A_10] : memref<6400x128xi32, #tpu.memory_space<hbm>> -> memref<5x128xi32, #tpu.memory_space<hbm>>
    %dma_start3A_12 = tpu.memref_slice %arg7[%dma_start3A_5] : memref<2x!tpu.dma_semaphore, #tpu.memory_space<semaphore_mem>> -> memref<1x!tpu.dma_semaphore, #tpu.memory_space<semaphore_mem>>
    %dma_start3A_13 = tpu.memref_squeeze %dma_start3A_12 : memref<1x!tpu.dma_semaphore, #tpu.memory_space<semaphore_mem>> -> memref<!tpu.dma_semaphore, #tpu.memory_space<semaphore_mem>>
    %dma_start3A_14 = arith.constant 0 : i32
    %dma_start3A_15 = arith.constant 0 : i32
    %dma_start3A_16 = tpu.memref_slice %arg5[%dma_start3A, %dma_start3A_14, %dma_start3A_15] : memref<2x5x128xi32, #tpu.memory_space<vmem>> -> memref<1x5x128xi32, #tpu.memory_space<vmem>>
    %dma_start3A_17 = tpu.memref_squeeze %dma_start3A_16 : memref<1x5x128xi32, #tpu.memory_space<vmem>> -> memref<5x128xi32, #tpu.memory_space<vmem>>
    %dma_start3A_18 = arith.constant 0 : i32
    %dma_start3A_19 = tpu.memref_slice %arg3[%add3A_4, %dma_start3A_18] : memref<6400x128xi32, #tpu.memory_space<hbm>> -> memref<5x128xi32, #tpu.memory_space<hbm>>
    tpu.enqueue_dma source(%dma_start3A_19 : memref<5x128xi32, #tpu.memory_space<hbm>>) target(%dma_start3A_17 : memref<5x128xi32, #tpu.memory_space<vmem>>) target_semaphore(%dma_start3A_13 : memref<!tpu.dma_semaphore, #tpu.memory_space<semaphore_mem>>)
    %add3A_20 = arith.constant 5 : i32
    %add3A_21 = arith.addi %mul3A_2, %add3A_20 : i32
    %dma_start3A_22 = arith.constant 1 : i32
    %dma_start3A_23 = arith.constant 1 : i32
    %dma_start3A_24 = arith.constant 0 : i32
    %dma_start3A_25 = arith.constant 0 : i32
    %dma_start3A_26 = tpu.memref_slice %arg5[%dma_start3A_22, %dma_start3A_24, %dma_start3A_25] : memref<2x5x128xi32, #tpu.memory_space<vmem>> -> memref<1x5x128xi32, #tpu.memory_space<vmem>>
    %dma_start3A_27 = tpu.memref_squeeze %dma_start3A_26 : memref<1x5x128xi32, #tpu.memory_space<vmem>> -> memref<5x128xi32, #tpu.memory_space<vmem>>
    %dma_start3A_28 = arith.constant 0 : i32
    %dma_start3A_29 = tpu.memref_slice %arg3[%add3A_21, %dma_start3A_28] : memref<6400x128xi32, #tpu.memory_space<hbm>> -> memref<5x128xi32, #tpu.memory_space<hbm>>
    %dma_start3A_30 = tpu.memref_slice %arg7[%dma_start3A_23] : memref<2x!tpu.dma_semaphore, #tpu.memory_space<semaphore_mem>> -> memref<1x!tpu.dma_semaphore, #tpu.memory_space<semaphore_mem>>
    %dma_start3A_31 = tpu.memref_squeeze %dma_start3A_30 : memref<1x!tpu.dma_semaphore, #tpu.memory_space<semaphore_mem>> -> memref<!tpu.dma_semaphore, #tpu.memory_space<semaphore_mem>>
    %dma_start3A_32 = arith.constant 0 : i32
    %dma_start3A_33 = arith.constant 0 : i32
    %dma_start3A_34 = tpu.memref_slice %arg5[%dma_start3A_22, %dma_start3A_32, %dma_start3A_33] : memref<2x5x128xi32, #tpu.memory_space<vmem>> -> memref<1x5x128xi32, #tpu.memory_space<vmem>>
    %dma_start3A_35 = tpu.memref_squeeze %dma_start3A_34 : memref<1x5x128xi32, #tpu.memory_space<vmem>> -> memref<5x128xi32, #tpu.memory_space<vmem>>
    %dma_start3A_36 = arith.constant 0 : i32
    %dma_start3A_37 = tpu.memref_slice %arg3[%add3A_21, %dma_start3A_36] : memref<6400x128xi32, #tpu.memory_space<hbm>> -> memref<5x128xi32, #tpu.memory_space<hbm>>
    tpu.enqueue_dma source(%dma_start3A_37 : memref<5x128xi32, #tpu.memory_space<hbm>>) target(%dma_start3A_35 : memref<5x128xi32, #tpu.memory_space<vmem>>) target_semaphore(%dma_start3A_31 : memref<!tpu.dma_semaphore, #tpu.memory_space<semaphore_mem>>)
    %scan3A = arith.constant 0 : i32
    %scan3A_38 = arith.constant 20 : i32
    %scan3A_39 = arith.addi %scan3A, %scan3A_38 : i32
    %scan3A_40 = arith.constant 1 : i32
    scf.for %scan3A_85 = %scan3A to %scan3A_39 step %scan3A_40  : i32 {
      %mul3A_86 = arith.constant 1 : i32
      %mul3A_87 = arith.muli %scan3A_85, %mul3A_86 : i32
      %add3A_88 = arith.constant 0 : i32
      %add3A_89 = arith.addi %add3A_88, %mul3A_87 : i32
      %mul3A_90 = arith.constant 2 : i32
      %mul3A_91 = arith.muli %add3A_89, %mul3A_90 : i32
      %add3A_92 = arith.constant 0 : i32
      %add3A_93 = arith.addi %mul3A_91, %add3A_92 : i32
      %mul3A_94 = arith.constant 5 : i32
      %mul3A_95 = arith.muli %add3A_93, %mul3A_94 : i32
      %add3A_96 = arith.addi %mul3A_2, %mul3A_95 : i32
      %dma_wait3A_97 = arith.constant 0 : i32
      %dma_wait3A_98 = arith.constant 0 : i32
      %dma_wait3A_99 = arith.constant 0 : i32
      %dma_wait3A_100 = arith.constant 0 : i32
      %dma_wait3A_101 = tpu.memref_slice %arg5[%dma_wait3A_97, %dma_wait3A_99, %dma_wait3A_100] : memref<2x5x128xi32, #tpu.memory_space<vmem>> -> memref<1x5x128xi32, #tpu.memory_space<vmem>>
      %dma_wait3A_102 = tpu.memref_squeeze %dma_wait3A_101 : memref<1x5x128xi32, #tpu.memory_space<vmem>> -> memref<5x128xi32, #tpu.memory_space<vmem>>
      %dma_wait3A_103 = arith.constant 0 : i32
      %dma_wait3A_104 = tpu.memref_slice %arg3[%add3A_96, %dma_wait3A_103] : memref<6400x128xi32, #tpu.memory_space<hbm>> -> memref<5x128xi32, #tpu.memory_space<hbm>>
      %dma_wait3A_105 = tpu.memref_slice %arg7[%dma_wait3A_98] : memref<2x!tpu.dma_semaphore, #tpu.memory_space<semaphore_mem>> -> memref<1x!tpu.dma_semaphore, #tpu.memory_space<semaphore_mem>>
      %dma_wait3A_106 = tpu.memref_squeeze %dma_wait3A_105 : memref<1x!tpu.dma_semaphore, #tpu.memory_space<semaphore_mem>> -> memref<!tpu.dma_semaphore, #tpu.memory_space<semaphore_mem>>
      %dma_wait3A_107 = arith.constant 0 : i32
      %dma_wait3A_108 = arith.constant 0 : i32
      %dma_wait3A_109 = tpu.memref_slice %arg5[%dma_wait3A_97, %dma_wait3A_107, %dma_wait3A_108] : memref<2x5x128xi32, #tpu.memory_space<vmem>> -> memref<1x5x128xi32, #tpu.memory_space<vmem>>
      %dma_wait3A_110 = tpu.memref_squeeze %dma_wait3A_109 : memref<1x5x128xi32, #tpu.memory_space<vmem>> -> memref<5x128xi32, #tpu.memory_space<vmem>>
      %dma_wait3A_111 = arith.constant 0 : i32
      %dma_wait3A_112 = tpu.memref_slice %arg3[%add3A_96, %dma_wait3A_111] : memref<6400x128xi32, #tpu.memory_space<hbm>> -> memref<5x128xi32, #tpu.memory_space<hbm>>
      tpu.wait_dma2 semaphore(%dma_wait3A_106 : memref<!tpu.dma_semaphore, #tpu.memory_space<semaphore_mem>>) src(%dma_wait3A_112 : memref<5x128xi32, #tpu.memory_space<hbm>>) dst(%dma_wait3A_110 : memref<5x128xi32, #tpu.memory_space<vmem>>)
      %ge3A = arith.constant 1 : i32
      %ge3A_113 = arith.cmpi sge, %add3A_89, %ge3A : i32
      %convert_element_type3A = arith.extui %ge3A_113 : i1 to i32
      %cond3A = arith.constant 0 : i32
      %cond3A_114 = arith.cmpi ne, %convert_element_type3A, %cond3A : i32
      scf.if %cond3A_114 {
        %sub3A = arith.constant 10 : i32
        %sub3A_532 = arith.subi %add3A_96, %sub3A : i32
        %dma_wait3A_533 = arith.constant 0 : i32
        %dma_wait3A_534 = arith.constant 0 : i32
        %dma_wait3A_535 = arith.constant 0 : i32
        %dma_wait3A_536 = arith.constant 0 : i32
        %dma_wait3A_537 = arith.constant 0 : i32
        %dma_wait3A_538 = tpu.memref_slice %arg6[%dma_wait3A_533, %dma_wait3A_535, %dma_wait3A_536, %dma_wait3A_537] : memref<2x5x128x64xf32, #tpu.memory_space<vmem>> -> memref<1x5x128x64xf32, #tpu.memory_space<vmem>>
        %dma_wait3A_539 = tpu.memref_squeeze %dma_wait3A_538 : memref<1x5x128x64xf32, #tpu.memory_space<vmem>> -> memref<5x128x64xf32, #tpu.memory_space<vmem>>
        %dma_wait3A_540 = arith.constant 0 : i32
        %dma_wait3A_541 = arith.constant 0 : i32
        %dma_wait3A_542 = tpu.memref_slice %arg4[%sub3A_532, %dma_wait3A_540, %dma_wait3A_541] : memref<6400x128x64xf32, #tpu.memory_space<hbm>> -> memref<5x128x64xf32, #tpu.memory_space<hbm>>
        %dma_wait3A_543 = tpu.memref_slice %arg9[%dma_wait3A_534] : memref<2x!tpu.dma_semaphore, #tpu.memory_space<semaphore_mem>> -> memref<1x!tpu.dma_semaphore, #tpu.memory_space<semaphore_mem>>
        %dma_wait3A_544 = tpu.memref_squeeze %dma_wait3A_543 : memref<1x!tpu.dma_semaphore, #tpu.memory_space<semaphore_mem>> -> memref<!tpu.dma_semaphore, #tpu.memory_space<semaphore_mem>>
        %dma_wait3A_545 = arith.constant 0 : i32
        %dma_wait3A_546 = arith.constant 0 : i32
        %dma_wait3A_547 = tpu.memref_slice %arg4[%sub3A_532, %dma_wait3A_545, %dma_wait3A_546] : memref<6400x128x64xf32, #tpu.memory_space<hbm>> -> memref<5x128x64xf32, #tpu.memory_space<hbm>>
        %dma_wait3A_548 = arith.constant 0 : i32
        %dma_wait3A_549 = arith.constant 0 : i32
        %dma_wait3A_550 = arith.constant 0 : i32
        %dma_wait3A_551 = tpu.memref_slice %arg6[%dma_wait3A_533, %dma_wait3A_548, %dma_wait3A_549, %dma_wait3A_550] : memref<2x5x128x64xf32, #tpu.memory_space<vmem>> -> memref<1x5x128x64xf32, #tpu.memory_space<vmem>>
        %dma_wait3A_552 = tpu.memref_squeeze %dma_wait3A_551 : memref<1x5x128x64xf32, #tpu.memory_space<vmem>> -> memref<5x128x64xf32, #tpu.memory_space<vmem>>
        tpu.wait_dma2 semaphore(%dma_wait3A_544 : memref<!tpu.dma_semaphore, #tpu.memory_space<semaphore_mem>>) src(%dma_wait3A_552 : memref<5x128x64xf32, #tpu.memory_space<vmem>>) dst(%dma_wait3A_547 : memref<5x128x64xf32, #tpu.memory_space<hbm>>)
      } else {
      }
      %dma_start3A_115 = arith.constant 0 : i32
      %dma_start3A_116 = arith.constant 0 : i32
      %dma_start3A_117 = arith.constant 0 : i32
      %dma_start3A_118 = arith.constant 0 : i32
      %dma_start3A_119 = arith.constant 0 : i32
      %dma_start3A_120 = arith.constant 0 : i32
      %dma_start3A_121 = arith.constant 0 : i32
      %dma_start3A_122 = tpu.memref_slice %arg6[%dma_start3A_117, %dma_start3A_118, %dma_start3A_120, %dma_start3A_121] : memref<2x5x128x64xf32, #tpu.memory_space<vmem>> -> memref<1x1x128x64xf32, #tpu.memory_space<vmem>>
      %dma_start3A_123 = tpu.memref_squeeze %dma_start3A_122 : memref<1x1x128x64xf32, #tpu.memory_space<vmem>> -> memref<128x64xf32, #tpu.memory_space<vmem>>
      %dma_start3A_124 = arith.constant 0 : i32
      %dma_start3A_125 = tpu.memref_slice %arg5[%dma_start3A_115, %dma_start3A_116, %dma_start3A_124] : memref<2x5x128xi32, #tpu.memory_space<vmem>> -> memref<1x1x128xi32, #tpu.memory_space<vmem>>
      %dma_start3A_126 = tpu.memref_squeeze %dma_start3A_125 : memref<1x1x128xi32, #tpu.memory_space<vmem>> -> memref<128xi32, #tpu.memory_space<vmem>>
      %dma_start3A_127 = arith.constant 0 : i32
      %dma_start3A_128 = arith.constant 0 : i32
      %dma_start3A_129 = tpu.memref_slice %arg2[%dma_start3A_127, %dma_start3A_128] : memref<1000000x64xf32, #tpu.memory_space<hbm>> -> memref<1000000x64xf32, #tpu.memory_space<hbm>>
      %dma_start3A_130 = tpu.memref_slice %arg8[%dma_start3A_119] : memref<2x!tpu.dma_semaphore, #tpu.memory_space<semaphore_mem>> -> memref<1x!tpu.dma_semaphore, #tpu.memory_space<semaphore_mem>>
      %dma_start3A_131 = tpu.memref_squeeze %dma_start3A_130 : memref<1x!tpu.dma_semaphore, #tpu.memory_space<semaphore_mem>> -> memref<!tpu.dma_semaphore, #tpu.memory_space<semaphore_mem>>
      tpu.enqueue_indirect_dma source(%dma_start3A_129 : memref<1000000x64xf32, #tpu.memory_space<hbm>>) target(%dma_start3A_123 : memref<128x64xf32, #tpu.memory_space<vmem>>) offsets(%dma_start3A_126 : memref<128xi32, #tpu.memory_space<vmem>>) semaphore(%dma_start3A_131 : memref<!tpu.dma_semaphore, #tpu.memory_space<semaphore_mem>>)
      %dma_start3A_132 = arith.constant 0 : i32
      %dma_start3A_133 = arith.constant 1 : i32
      %dma_start3A_134 = arith.constant 0 : i32
      %dma_start3A_135 = arith.constant 1 : i32
      %dma_start3A_136 = arith.constant 0 : i32
      %dma_start3A_137 = arith.constant 0 : i32
      %dma_start3A_138 = arith.constant 0 : i32
      %dma_start3A_139 = tpu.memref_slice %arg6[%dma_start3A_134, %dma_start3A_135, %dma_start3A_137, %dma_start3A_138] : memref<2x5x128x64xf32, #tpu.memory_space<vmem>> -> memref<1x1x128x64xf32, #tpu.memory_space<vmem>>
      %dma_start3A_140 = tpu.memref_squeeze %dma_start3A_139 : memref<1x1x128x64xf32, #tpu.memory_space<vmem>> -> memref<128x64xf32, #tpu.memory_space<vmem>>
      %dma_start3A_141 = arith.constant 0 : i32
      %dma_start3A_142 = tpu.memref_slice %arg5[%dma_start3A_132, %dma_start3A_133, %dma_start3A_141] : memref<2x5x128xi32, #tpu.memory_space<vmem>> -> memref<1x1x128xi32, #tpu.memory_space<vmem>>
      %dma_start3A_143 = tpu.memref_squeeze %dma_start3A_142 : memref<1x1x128xi32, #tpu.memory_space<vmem>> -> memref<128xi32, #tpu.memory_space<vmem>>
      %dma_start3A_144 = arith.constant 0 : i32
      %dma_start3A_145 = arith.constant 0 : i32
      %dma_start3A_146 = tpu.memref_slice %arg2[%dma_start3A_144, %dma_start3A_145] : memref<1000000x64xf32, #tpu.memory_space<hbm>> -> memref<1000000x64xf32, #tpu.memory_space<hbm>>
      %dma_start3A_147 = tpu.memref_slice %arg8[%dma_start3A_136] : memref<2x!tpu.dma_semaphore, #tpu.memory_space<semaphore_mem>> -> memref<1x!tpu.dma_semaphore, #tpu.memory_space<semaphore_mem>>
      %dma_start3A_148 = tpu.memref_squeeze %dma_start3A_147 : memref<1x!tpu.dma_semaphore, #tpu.memory_space<semaphore_mem>> -> memref<!tpu.dma_semaphore, #tpu.memory_space<semaphore_mem>>
      tpu.enqueue_indirect_dma source(%dma_start3A_146 : memref<1000000x64xf32, #tpu.memory_space<hbm>>) target(%dma_start3A_140 : memref<128x64xf32, #tpu.memory_space<vmem>>) offsets(%dma_start3A_143 : memref<128xi32, #tpu.memory_space<vmem>>) semaphore(%dma_start3A_148 : memref<!tpu.dma_semaphore, #tpu.memory_space<semaphore_mem>>)
      %dma_start3A_149 = arith.constant 0 : i32
      %dma_start3A_150 = arith.constant 2 : i32
      %dma_start3A_151 = arith.constant 0 : i32
      %dma_start3A_152 = arith.constant 2 : i32
      %dma_start3A_153 = arith.constant 0 : i32
      %dma_start3A_154 = arith.constant 0 : i32
      %dma_start3A_155 = arith.constant 0 : i32
      %dma_start3A_156 = tpu.memref_slice %arg6[%dma_start3A_151, %dma_start3A_152, %dma_start3A_154, %dma_start3A_155] : memref<2x5x128x64xf32, #tpu.memory_space<vmem>> -> memref<1x1x128x64xf32, #tpu.memory_space<vmem>>
      %dma_start3A_157 = tpu.memref_squeeze %dma_start3A_156 : memref<1x1x128x64xf32, #tpu.memory_space<vmem>> -> memref<128x64xf32, #tpu.memory_space<vmem>>
      %dma_start3A_158 = arith.constant 0 : i32
      %dma_start3A_159 = tpu.memref_slice %arg5[%dma_start3A_149, %dma_start3A_150, %dma_start3A_158] : memref<2x5x128xi32, #tpu.memory_space<vmem>> -> memref<1x1x128xi32, #tpu.memory_space<vmem>>
      %dma_start3A_160 = tpu.memref_squeeze %dma_start3A_159 : memref<1x1x128xi32, #tpu.memory_space<vmem>> -> memref<128xi32, #tpu.memory_space<vmem>>
      %dma_start3A_161 = arith.constant 0 : i32
      %dma_start3A_162 = arith.constant 0 : i32
      %dma_start3A_163 = tpu.memref_slice %arg2[%dma_start3A_161, %dma_start3A_162] : memref<1000000x64xf32, #tpu.memory_space<hbm>> -> memref<1000000x64xf32, #tpu.memory_space<hbm>>
      %dma_start3A_164 = tpu.memref_slice %arg8[%dma_start3A_153] : memref<2x!tpu.dma_semaphore, #tpu.memory_space<semaphore_mem>> -> memref<1x!tpu.dma_semaphore, #tpu.memory_space<semaphore_mem>>
      %dma_start3A_165 = tpu.memref_squeeze %dma_start3A_164 : memref<1x!tpu.dma_semaphore, #tpu.memory_space<semaphore_mem>> -> memref<!tpu.dma_semaphore, #tpu.memory_space<semaphore_mem>>
      tpu.enqueue_indirect_dma source(%dma_start3A_163 : memref<1000000x64xf32, #tpu.memory_space<hbm>>) target(%dma_start3A_157 : memref<128x64xf32, #tpu.memory_space<vmem>>) offsets(%dma_start3A_160 : memref<128xi32, #tpu.memory_space<vmem>>) semaphore(%dma_start3A_165 : memref<!tpu.dma_semaphore, #tpu.memory_space<semaphore_mem>>)
      %dma_start3A_166 = arith.constant 0 : i32
      %dma_start3A_167 = arith.constant 3 : i32
      %dma_start3A_168 = arith.constant 0 : i32
      %dma_start3A_169 = arith.constant 3 : i32
      %dma_start3A_170 = arith.constant 0 : i32
      %dma_start3A_171 = arith.constant 0 : i32
      %dma_start3A_172 = arith.constant 0 : i32
      %dma_start3A_173 = tpu.memref_slice %arg6[%dma_start3A_168, %dma_start3A_169, %dma_start3A_171, %dma_start3A_172] : memref<2x5x128x64xf32, #tpu.memory_space<vmem>> -> memref<1x1x128x64xf32, #tpu.memory_space<vmem>>
      %dma_start3A_174 = tpu.memref_squeeze %dma_start3A_173 : memref<1x1x128x64xf32, #tpu.memory_space<vmem>> -> memref<128x64xf32, #tpu.memory_space<vmem>>
      %dma_start3A_175 = arith.constant 0 : i32
      %dma_start3A_176 = tpu.memref_slice %arg5[%dma_start3A_166, %dma_start3A_167, %dma_start3A_175] : memref<2x5x128xi32, #tpu.memory_space<vmem>> -> memref<1x1x128xi32, #tpu.memory_space<vmem>>
      %dma_start3A_177 = tpu.memref_squeeze %dma_start3A_176 : memref<1x1x128xi32, #tpu.memory_space<vmem>> -> memref<128xi32, #tpu.memory_space<vmem>>
      %dma_start3A_178 = arith.constant 0 : i32
      %dma_start3A_179 = arith.constant 0 : i32
      %dma_start3A_180 = tpu.memref_slice %arg2[%dma_start3A_178, %dma_start3A_179] : memref<1000000x64xf32, #tpu.memory_space<hbm>> -> memref<1000000x64xf32, #tpu.memory_space<hbm>>
      %dma_start3A_181 = tpu.memref_slice %arg8[%dma_start3A_170] : memref<2x!tpu.dma_semaphore, #tpu.memory_space<semaphore_mem>> -> memref<1x!tpu.dma_semaphore, #tpu.memory_space<semaphore_mem>>
      %dma_start3A_182 = tpu.memref_squeeze %dma_start3A_181 : memref<1x!tpu.dma_semaphore, #tpu.memory_space<semaphore_mem>> -> memref<!tpu.dma_semaphore, #tpu.memory_space<semaphore_mem>>
      tpu.enqueue_indirect_dma source(%dma_start3A_180 : memref<1000000x64xf32, #tpu.memory_space<hbm>>) target(%dma_start3A_174 : memref<128x64xf32, #tpu.memory_space<vmem>>) offsets(%dma_start3A_177 : memref<128xi32, #tpu.memory_space<vmem>>) semaphore(%dma_start3A_182 : memref<!tpu.dma_semaphore, #tpu.memory_space<semaphore_mem>>)
      %dma_start3A_183 = arith.constant 0 : i32
      %dma_start3A_184 = arith.constant 4 : i32
      %dma_start3A_185 = arith.constant 0 : i32
      %dma_start3A_186 = arith.constant 4 : i32
      %dma_start3A_187 = arith.constant 0 : i32
      %dma_start3A_188 = arith.constant 0 : i32
      %dma_start3A_189 = arith.constant 0 : i32
      %dma_start3A_190 = tpu.memref_slice %arg6[%dma_start3A_185, %dma_start3A_186, %dma_start3A_188, %dma_start3A_189] : memref<2x5x128x64xf32, #tpu.memory_space<vmem>> -> memref<1x1x128x64xf32, #tpu.memory_space<vmem>>
      %dma_start3A_191 = tpu.memref_squeeze %dma_start3A_190 : memref<1x1x128x64xf32, #tpu.memory_space<vmem>> -> memref<128x64xf32, #tpu.memory_space<vmem>>
      %dma_start3A_192 = arith.constant 0 : i32
      %dma_start3A_193 = tpu.memref_slice %arg5[%dma_start3A_183, %dma_start3A_184, %dma_start3A_192] : memref<2x5x128xi32, #tpu.memory_space<vmem>> -> memref<1x1x128xi32, #tpu.memory_space<vmem>>
      %dma_start3A_194 = tpu.memref_squeeze %dma_start3A_193 : memref<1x1x128xi32, #tpu.memory_space<vmem>> -> memref<128xi32, #tpu.memory_space<vmem>>
      %dma_start3A_195 = arith.constant 0 : i32
      %dma_start3A_196 = arith.constant 0 : i32
      %dma_start3A_197 = tpu.memref_slice %arg2[%dma_start3A_195, %dma_start3A_196] : memref<1000000x64xf32, #tpu.memory_space<hbm>> -> memref<1000000x64xf32, #tpu.memory_space<hbm>>
      %dma_start3A_198 = tpu.memref_slice %arg8[%dma_start3A_187] : memref<2x!tpu.dma_semaphore, #tpu.memory_space<semaphore_mem>> -> memref<1x!tpu.dma_semaphore, #tpu.memory_space<semaphore_mem>>
      %dma_start3A_199 = tpu.memref_squeeze %dma_start3A_198 : memref<1x!tpu.dma_semaphore, #tpu.memory_space<semaphore_mem>> -> memref<!tpu.dma_semaphore, #tpu.memory_space<semaphore_mem>>
      tpu.enqueue_indirect_dma source(%dma_start3A_197 : memref<1000000x64xf32, #tpu.memory_space<hbm>>) target(%dma_start3A_191 : memref<128x64xf32, #tpu.memory_space<vmem>>) offsets(%dma_start3A_194 : memref<128xi32, #tpu.memory_space<vmem>>) semaphore(%dma_start3A_199 : memref<!tpu.dma_semaphore, #tpu.memory_space<semaphore_mem>>)
      %dma_wait3A_200 = arith.constant 0 : i32
      %dma_wait3A_201 = arith.constant 0 : i32
      %dma_wait3A_202 = arith.constant 0 : i32
      %dma_wait3A_203 = arith.constant 0 : i32
      %dma_wait3A_204 = arith.constant 0 : i32
      %dma_wait3A_205 = arith.constant 0 : i32
      %dma_wait3A_206 = arith.constant 0 : i32
      %dma_wait3A_207 = tpu.memref_slice %arg6[%dma_wait3A_202, %dma_wait3A_203, %dma_wait3A_205, %dma_wait3A_206] : memref<2x5x128x64xf32, #tpu.memory_space<vmem>> -> memref<1x1x128x64xf32, #tpu.memory_space<vmem>>
      %dma_wait3A_208 = tpu.memref_squeeze %dma_wait3A_207 : memref<1x1x128x64xf32, #tpu.memory_space<vmem>> -> memref<128x64xf32, #tpu.memory_space<vmem>>
      %dma_wait3A_209 = arith.constant 0 : i32
      %dma_wait3A_210 = tpu.memref_slice %arg5[%dma_wait3A_200, %dma_wait3A_201, %dma_wait3A_209] : memref<2x5x128xi32, #tpu.memory_space<vmem>> -> memref<1x1x128xi32, #tpu.memory_space<vmem>>
      %dma_wait3A_211 = tpu.memref_squeeze %dma_wait3A_210 : memref<1x1x128xi32, #tpu.memory_space<vmem>> -> memref<128xi32, #tpu.memory_space<vmem>>
      %dma_wait3A_212 = arith.constant 0 : i32
      %dma_wait3A_213 = arith.constant 0 : i32
      %dma_wait3A_214 = tpu.memref_slice %arg2[%dma_wait3A_212, %dma_wait3A_213] : memref<1000000x64xf32, #tpu.memory_space<hbm>> -> memref<1000000x64xf32, #tpu.memory_space<hbm>>
      %dma_wait3A_215 = tpu.memref_slice %arg8[%dma_wait3A_204] : memref<2x!tpu.dma_semaphore, #tpu.memory_space<semaphore_mem>> -> memref<1x!tpu.dma_semaphore, #tpu.memory_space<semaphore_mem>>
      %dma_wait3A_216 = tpu.memref_squeeze %dma_wait3A_215 : memref<1x!tpu.dma_semaphore, #tpu.memory_space<semaphore_mem>> -> memref<!tpu.dma_semaphore, #tpu.memory_space<semaphore_mem>>
      tpu.wait_indirect_dma semaphore(%dma_wait3A_216 : memref<!tpu.dma_semaphore, #tpu.memory_space<semaphore_mem>>) src(%dma_wait3A_214 : memref<1000000x64xf32, #tpu.memory_space<hbm>>) dst(%dma_wait3A_208 : memref<128x64xf32, #tpu.memory_space<vmem>>)
      %dma_wait3A_217 = arith.constant 0 : i32
      %dma_wait3A_218 = arith.constant 1 : i32
      %dma_wait3A_219 = arith.constant 0 : i32
      %dma_wait3A_220 = arith.constant 1 : i32
      %dma_wait3A_221 = arith.constant 0 : i32
      %dma_wait3A_222 = arith.constant 0 : i32
      %dma_wait3A_223 = arith.constant 0 : i32
      %dma_wait3A_224 = tpu.memref_slice %arg6[%dma_wait3A_219, %dma_wait3A_220, %dma_wait3A_222, %dma_wait3A_223] : memref<2x5x128x64xf32, #tpu.memory_space<vmem>> -> memref<1x1x128x64xf32, #tpu.memory_space<vmem>>
      %dma_wait3A_225 = tpu.memref_squeeze %dma_wait3A_224 : memref<1x1x128x64xf32, #tpu.memory_space<vmem>> -> memref<128x64xf32, #tpu.memory_space<vmem>>
      %dma_wait3A_226 = arith.constant 0 : i32
      %dma_wait3A_227 = tpu.memref_slice %arg5[%dma_wait3A_217, %dma_wait3A_218, %dma_wait3A_226] : memref<2x5x128xi32, #tpu.memory_space<vmem>> -> memref<1x1x128xi32, #tpu.memory_space<vmem>>
      %dma_wait3A_228 = tpu.memref_squeeze %dma_wait3A_227 : memref<1x1x128xi32, #tpu.memory_space<vmem>> -> memref<128xi32, #tpu.memory_space<vmem>>
      %dma_wait3A_229 = arith.constant 0 : i32
      %dma_wait3A_230 = arith.constant 0 : i32
      %dma_wait3A_231 = tpu.memref_slice %arg2[%dma_wait3A_229, %dma_wait3A_230] : memref<1000000x64xf32, #tpu.memory_space<hbm>> -> memref<1000000x64xf32, #tpu.memory_space<hbm>>
      %dma_wait3A_232 = tpu.memref_slice %arg8[%dma_wait3A_221] : memref<2x!tpu.dma_semaphore, #tpu.memory_space<semaphore_mem>> -> memref<1x!tpu.dma_semaphore, #tpu.memory_space<semaphore_mem>>
      %dma_wait3A_233 = tpu.memref_squeeze %dma_wait3A_232 : memref<1x!tpu.dma_semaphore, #tpu.memory_space<semaphore_mem>> -> memref<!tpu.dma_semaphore, #tpu.memory_space<semaphore_mem>>
      tpu.wait_indirect_dma semaphore(%dma_wait3A_233 : memref<!tpu.dma_semaphore, #tpu.memory_space<semaphore_mem>>) src(%dma_wait3A_231 : memref<1000000x64xf32, #tpu.memory_space<hbm>>) dst(%dma_wait3A_225 : memref<128x64xf32, #tpu.memory_space<vmem>>)
      %dma_wait3A_234 = arith.constant 0 : i32
      %dma_wait3A_235 = arith.constant 2 : i32
      %dma_wait3A_236 = arith.constant 0 : i32
      %dma_wait3A_237 = arith.constant 2 : i32
      %dma_wait3A_238 = arith.constant 0 : i32
      %dma_wait3A_239 = arith.constant 0 : i32
      %dma_wait3A_240 = arith.constant 0 : i32
      %dma_wait3A_241 = tpu.memref_slice %arg6[%dma_wait3A_236, %dma_wait3A_237, %dma_wait3A_239, %dma_wait3A_240] : memref<2x5x128x64xf32, #tpu.memory_space<vmem>> -> memref<1x1x128x64xf32, #tpu.memory_space<vmem>>
      %dma_wait3A_242 = tpu.memref_squeeze %dma_wait3A_241 : memref<1x1x128x64xf32, #tpu.memory_space<vmem>> -> memref<128x64xf32, #tpu.memory_space<vmem>>
      %dma_wait3A_243 = arith.constant 0 : i32
      %dma_wait3A_244 = tpu.memref_slice %arg5[%dma_wait3A_234, %dma_wait3A_235, %dma_wait3A_243] : memref<2x5x128xi32, #tpu.memory_space<vmem>> -> memref<1x1x128xi32, #tpu.memory_space<vmem>>
      %dma_wait3A_245 = tpu.memref_squeeze %dma_wait3A_244 : memref<1x1x128xi32, #tpu.memory_space<vmem>> -> memref<128xi32, #tpu.memory_space<vmem>>
      %dma_wait3A_246 = arith.constant 0 : i32
      %dma_wait3A_247 = arith.constant 0 : i32
      %dma_wait3A_248 = tpu.memref_slice %arg2[%dma_wait3A_246, %dma_wait3A_247] : memref<1000000x64xf32, #tpu.memory_space<hbm>> -> memref<1000000x64xf32, #tpu.memory_space<hbm>>
      %dma_wait3A_249 = tpu.memref_slice %arg8[%dma_wait3A_238] : memref<2x!tpu.dma_semaphore, #tpu.memory_space<semaphore_mem>> -> memref<1x!tpu.dma_semaphore, #tpu.memory_space<semaphore_mem>>
      %dma_wait3A_250 = tpu.memref_squeeze %dma_wait3A_249 : memref<1x!tpu.dma_semaphore, #tpu.memory_space<semaphore_mem>> -> memref<!tpu.dma_semaphore, #tpu.memory_space<semaphore_mem>>
      tpu.wait_indirect_dma semaphore(%dma_wait3A_250 : memref<!tpu.dma_semaphore, #tpu.memory_space<semaphore_mem>>) src(%dma_wait3A_248 : memref<1000000x64xf32, #tpu.memory_space<hbm>>) dst(%dma_wait3A_242 : memref<128x64xf32, #tpu.memory_space<vmem>>)
      %dma_wait3A_251 = arith.constant 0 : i32
      %dma_wait3A_252 = arith.constant 3 : i32
      %dma_wait3A_253 = arith.constant 0 : i32
      %dma_wait3A_254 = arith.constant 3 : i32
      %dma_wait3A_255 = arith.constant 0 : i32
      %dma_wait3A_256 = arith.constant 0 : i32
      %dma_wait3A_257 = arith.constant 0 : i32
      %dma_wait3A_258 = tpu.memref_slice %arg6[%dma_wait3A_253, %dma_wait3A_254, %dma_wait3A_256, %dma_wait3A_257] : memref<2x5x128x64xf32, #tpu.memory_space<vmem>> -> memref<1x1x128x64xf32, #tpu.memory_space<vmem>>
      %dma_wait3A_259 = tpu.memref_squeeze %dma_wait3A_258 : memref<1x1x128x64xf32, #tpu.memory_space<vmem>> -> memref<128x64xf32, #tpu.memory_space<vmem>>
      %dma_wait3A_260 = arith.constant 0 : i32
      %dma_wait3A_261 = tpu.memref_slice %arg5[%dma_wait3A_251, %dma_wait3A_252, %dma_wait3A_260] : memref<2x5x128xi32, #tpu.memory_space<vmem>> -> memref<1x1x128xi32, #tpu.memory_space<vmem>>
      %dma_wait3A_262 = tpu.memref_squeeze %dma_wait3A_261 : memref<1x1x128xi32, #tpu.memory_space<vmem>> -> memref<128xi32, #tpu.memory_space<vmem>>
      %dma_wait3A_263 = arith.constant 0 : i32
      %dma_wait3A_264 = arith.constant 0 : i32
      %dma_wait3A_265 = tpu.memref_slice %arg2[%dma_wait3A_263, %dma_wait3A_264] : memref<1000000x64xf32, #tpu.memory_space<hbm>> -> memref<1000000x64xf32, #tpu.memory_space<hbm>>
      %dma_wait3A_266 = tpu.memref_slice %arg8[%dma_wait3A_255] : memref<2x!tpu.dma_semaphore, #tpu.memory_space<semaphore_mem>> -> memref<1x!tpu.dma_semaphore, #tpu.memory_space<semaphore_mem>>
      %dma_wait3A_267 = tpu.memref_squeeze %dma_wait3A_266 : memref<1x!tpu.dma_semaphore, #tpu.memory_space<semaphore_mem>> -> memref<!tpu.dma_semaphore, #tpu.memory_space<semaphore_mem>>
      tpu.wait_indirect_dma semaphore(%dma_wait3A_267 : memref<!tpu.dma_semaphore, #tpu.memory_space<semaphore_mem>>) src(%dma_wait3A_265 : memref<1000000x64xf32, #tpu.memory_space<hbm>>) dst(%dma_wait3A_259 : memref<128x64xf32, #tpu.memory_space<vmem>>)
      %dma_wait3A_268 = arith.constant 0 : i32
      %dma_wait3A_269 = arith.constant 4 : i32
      %dma_wait3A_270 = arith.constant 0 : i32
      %dma_wait3A_271 = arith.constant 4 : i32
      %dma_wait3A_272 = arith.constant 0 : i32
      %dma_wait3A_273 = arith.constant 0 : i32
      %dma_wait3A_274 = arith.constant 0 : i32
      %dma_wait3A_275 = tpu.memref_slice %arg6[%dma_wait3A_270, %dma_wait3A_271, %dma_wait3A_273, %dma_wait3A_274] : memref<2x5x128x64xf32, #tpu.memory_space<vmem>> -> memref<1x1x128x64xf32, #tpu.memory_space<vmem>>
      %dma_wait3A_276 = tpu.memref_squeeze %dma_wait3A_275 : memref<1x1x128x64xf32, #tpu.memory_space<vmem>> -> memref<128x64xf32, #tpu.memory_space<vmem>>
      %dma_wait3A_277 = arith.constant 0 : i32
      %dma_wait3A_278 = tpu.memref_slice %arg5[%dma_wait3A_268, %dma_wait3A_269, %dma_wait3A_277] : memref<2x5x128xi32, #tpu.memory_space<vmem>> -> memref<1x1x128xi32, #tpu.memory_space<vmem>>
      %dma_wait3A_279 = tpu.memref_squeeze %dma_wait3A_278 : memref<1x1x128xi32, #tpu.memory_space<vmem>> -> memref<128xi32, #tpu.memory_space<vmem>>
      %dma_wait3A_280 = arith.constant 0 : i32
      %dma_wait3A_281 = arith.constant 0 : i32
      %dma_wait3A_282 = tpu.memref_slice %arg2[%dma_wait3A_280, %dma_wait3A_281] : memref<1000000x64xf32, #tpu.memory_space<hbm>> -> memref<1000000x64xf32, #tpu.memory_space<hbm>>
      %dma_wait3A_283 = tpu.memref_slice %arg8[%dma_wait3A_272] : memref<2x!tpu.dma_semaphore, #tpu.memory_space<semaphore_mem>> -> memref<1x!tpu.dma_semaphore, #tpu.memory_space<semaphore_mem>>
      %dma_wait3A_284 = tpu.memref_squeeze %dma_wait3A_283 : memref<1x!tpu.dma_semaphore, #tpu.memory_space<semaphore_mem>> -> memref<!tpu.dma_semaphore, #tpu.memory_space<semaphore_mem>>
      tpu.wait_indirect_dma semaphore(%dma_wait3A_284 : memref<!tpu.dma_semaphore, #tpu.memory_space<semaphore_mem>>) src(%dma_wait3A_282 : memref<1000000x64xf32, #tpu.memory_space<hbm>>) dst(%dma_wait3A_276 : memref<128x64xf32, #tpu.memory_space<vmem>>)
      %dma_start3A_285 = arith.constant 0 : i32
      %dma_start3A_286 = arith.constant 0 : i32
      %dma_start3A_287 = arith.constant 0 : i32
      %dma_start3A_288 = arith.constant 0 : i32
      %dma_start3A_289 = arith.constant 0 : i32
      %dma_start3A_290 = tpu.memref_slice %arg6[%dma_start3A_285, %dma_start3A_287, %dma_start3A_288, %dma_start3A_289] : memref<2x5x128x64xf32, #tpu.memory_space<vmem>> -> memref<1x5x128x64xf32, #tpu.memory_space<vmem>>
      %dma_start3A_291 = tpu.memref_squeeze %dma_start3A_290 : memref<1x5x128x64xf32, #tpu.memory_space<vmem>> -> memref<5x128x64xf32, #tpu.memory_space<vmem>>
      %dma_start3A_292 = arith.constant 0 : i32
      %dma_start3A_293 = arith.constant 0 : i32
      %dma_start3A_294 = tpu.memref_slice %arg4[%add3A_96, %dma_start3A_292, %dma_start3A_293] : memref<6400x128x64xf32, #tpu.memory_space<hbm>> -> memref<5x128x64xf32, #tpu.memory_space<hbm>>
      %dma_start3A_295 = tpu.memref_slice %arg9[%dma_start3A_286] : memref<2x!tpu.dma_semaphore, #tpu.memory_space<semaphore_mem>> -> memref<1x!tpu.dma_semaphore, #tpu.memory_space<semaphore_mem>>
      %dma_start3A_296 = tpu.memref_squeeze %dma_start3A_295 : memref<1x!tpu.dma_semaphore, #tpu.memory_space<semaphore_mem>> -> memref<!tpu.dma_semaphore, #tpu.memory_space<semaphore_mem>>
      %dma_start3A_297 = arith.constant 0 : i32
      %dma_start3A_298 = arith.constant 0 : i32
      %dma_start3A_299 = tpu.memref_slice %arg4[%add3A_96, %dma_start3A_297, %dma_start3A_298] : memref<6400x128x64xf32, #tpu.memory_space<hbm>> -> memref<5x128x64xf32, #tpu.memory_space<hbm>>
      %dma_start3A_300 = arith.constant 0 : i32
      %dma_start3A_301 = arith.constant 0 : i32
      %dma_start3A_302 = arith.constant 0 : i32
      %dma_start3A_303 = tpu.memref_slice %arg6[%dma_start3A_285, %dma_start3A_300, %dma_start3A_301, %dma_start3A_302] : memref<2x5x128x64xf32, #tpu.memory_space<vmem>> -> memref<1x5x128x64xf32, #tpu.memory_space<vmem>>
      %dma_start3A_304 = tpu.memref_squeeze %dma_start3A_303 : memref<1x5x128x64xf32, #tpu.memory_space<vmem>> -> memref<5x128x64xf32, #tpu.memory_space<vmem>>
      tpu.enqueue_dma source(%dma_start3A_304 : memref<5x128x64xf32, #tpu.memory_space<vmem>>) target(%dma_start3A_299 : memref<5x128x64xf32, #tpu.memory_space<hbm>>) target_semaphore(%dma_start3A_296 : memref<!tpu.dma_semaphore, #tpu.memory_space<semaphore_mem>>)
      %lt3A = arith.constant 19 : i32
      %lt3A_305 = arith.cmpi slt, %add3A_89, %lt3A : i32
      %convert_element_type3A_306 = arith.extui %lt3A_305 : i1 to i32
      %cond3A_307 = arith.constant 0 : i32
      %cond3A_308 = arith.cmpi ne, %convert_element_type3A_306, %cond3A_307 : i32
      scf.if %cond3A_308 {
        %add3A_532 = arith.constant 10 : i32
        %add3A_533 = arith.addi %add3A_96, %add3A_532 : i32
        %dma_start3A_534 = arith.constant 0 : i32
        %dma_start3A_535 = arith.constant 0 : i32
        %dma_start3A_536 = arith.constant 0 : i32
        %dma_start3A_537 = arith.constant 0 : i32
        %dma_start3A_538 = tpu.memref_slice %arg5[%dma_start3A_534, %dma_start3A_536, %dma_start3A_537] : memref<2x5x128xi32, #tpu.memory_space<vmem>> -> memref<1x5x128xi32, #tpu.memory_space<vmem>>
        %dma_start3A_539 = tpu.memref_squeeze %dma_start3A_538 : memref<1x5x128xi32, #tpu.memory_space<vmem>> -> memref<5x128xi32, #tpu.memory_space<vmem>>
        %dma_start3A_540 = arith.constant 0 : i32
        %dma_start3A_541 = tpu.memref_slice %arg3[%add3A_533, %dma_start3A_540] : memref<6400x128xi32, #tpu.memory_space<hbm>> -> memref<5x128xi32, #tpu.memory_space<hbm>>
        %dma_start3A_542 = tpu.memref_slice %arg7[%dma_start3A_535] : memref<2x!tpu.dma_semaphore, #tpu.memory_space<semaphore_mem>> -> memref<1x!tpu.dma_semaphore, #tpu.memory_space<semaphore_mem>>
        %dma_start3A_543 = tpu.memref_squeeze %dma_start3A_542 : memref<1x!tpu.dma_semaphore, #tpu.memory_space<semaphore_mem>> -> memref<!tpu.dma_semaphore, #tpu.memory_space<semaphore_mem>>
        %dma_start3A_544 = arith.constant 0 : i32
        %dma_start3A_545 = arith.constant 0 : i32
        %dma_start3A_546 = tpu.memref_slice %arg5[%dma_start3A_534, %dma_start3A_544, %dma_start3A_545] : memref<2x5x128xi32, #tpu.memory_space<vmem>> -> memref<1x5x128xi32, #tpu.memory_space<vmem>>
        %dma_start3A_547 = tpu.memref_squeeze %dma_start3A_546 : memref<1x5x128xi32, #tpu.memory_space<vmem>> -> memref<5x128xi32, #tpu.memory_space<vmem>>
        %dma_start3A_548 = arith.constant 0 : i32
        %dma_start3A_549 = tpu.memref_slice %arg3[%add3A_533, %dma_start3A_548] : memref<6400x128xi32, #tpu.memory_space<hbm>> -> memref<5x128xi32, #tpu.memory_space<hbm>>
        tpu.enqueue_dma source(%dma_start3A_549 : memref<5x128xi32, #tpu.memory_space<hbm>>) target(%dma_start3A_547 : memref<5x128xi32, #tpu.memory_space<vmem>>) target_semaphore(%dma_start3A_543 : memref<!tpu.dma_semaphore, #tpu.memory_space<semaphore_mem>>)
      } else {
      }
      %mul3A_309 = arith.constant 2 : i32
      %mul3A_310 = arith.muli %add3A_89, %mul3A_309 : i32
      %add3A_311 = arith.constant 1 : i32
      %add3A_312 = arith.addi %mul3A_310, %add3A_311 : i32
      %mul3A_313 = arith.constant 5 : i32
      %mul3A_314 = arith.muli %add3A_312, %mul3A_313 : i32
      %add3A_315 = arith.addi %mul3A_2, %mul3A_314 : i32
      %dma_wait3A_316 = arith.constant 1 : i32
      %dma_wait3A_317 = arith.constant 1 : i32
      %dma_wait3A_318 = arith.constant 0 : i32
      %dma_wait3A_319 = arith.constant 0 : i32
      %dma_wait3A_320 = tpu.memref_slice %arg5[%dma_wait3A_316, %dma_wait3A_318, %dma_wait3A_319] : memref<2x5x128xi32, #tpu.memory_space<vmem>> -> memref<1x5x128xi32, #tpu.memory_space<vmem>>
      %dma_wait3A_321 = tpu.memref_squeeze %dma_wait3A_320 : memref<1x5x128xi32, #tpu.memory_space<vmem>> -> memref<5x128xi32, #tpu.memory_space<vmem>>
      %dma_wait3A_322 = arith.constant 0 : i32
      %dma_wait3A_323 = tpu.memref_slice %arg3[%add3A_315, %dma_wait3A_322] : memref<6400x128xi32, #tpu.memory_space<hbm>> -> memref<5x128xi32, #tpu.memory_space<hbm>>
      %dma_wait3A_324 = tpu.memref_slice %arg7[%dma_wait3A_317] : memref<2x!tpu.dma_semaphore, #tpu.memory_space<semaphore_mem>> -> memref<1x!tpu.dma_semaphore, #tpu.memory_space<semaphore_mem>>
      %dma_wait3A_325 = tpu.memref_squeeze %dma_wait3A_324 : memref<1x!tpu.dma_semaphore, #tpu.memory_space<semaphore_mem>> -> memref<!tpu.dma_semaphore, #tpu.memory_space<semaphore_mem>>
      %dma_wait3A_326 = arith.constant 0 : i32
      %dma_wait3A_327 = arith.constant 0 : i32
      %dma_wait3A_328 = tpu.memref_slice %arg5[%dma_wait3A_316, %dma_wait3A_326, %dma_wait3A_327] : memref<2x5x128xi32, #tpu.memory_space<vmem>> -> memref<1x5x128xi32, #tpu.memory_space<vmem>>
      %dma_wait3A_329 = tpu.memref_squeeze %dma_wait3A_328 : memref<1x5x128xi32, #tpu.memory_space<vmem>> -> memref<5x128xi32, #tpu.memory_space<vmem>>
      %dma_wait3A_330 = arith.constant 0 : i32
      %dma_wait3A_331 = tpu.memref_slice %arg3[%add3A_315, %dma_wait3A_330] : memref<6400x128xi32, #tpu.memory_space<hbm>> -> memref<5x128xi32, #tpu.memory_space<hbm>>
      tpu.wait_dma2 semaphore(%dma_wait3A_325 : memref<!tpu.dma_semaphore, #tpu.memory_space<semaphore_mem>>) src(%dma_wait3A_331 : memref<5x128xi32, #tpu.memory_space<hbm>>) dst(%dma_wait3A_329 : memref<5x128xi32, #tpu.memory_space<vmem>>)
      %ge3A_332 = arith.constant 1 : i32
      %ge3A_333 = arith.cmpi sge, %add3A_89, %ge3A_332 : i32
      %convert_element_type3A_334 = arith.extui %ge3A_333 : i1 to i32
      %cond3A_335 = arith.constant 0 : i32
      %cond3A_336 = arith.cmpi ne, %convert_element_type3A_334, %cond3A_335 : i32
      scf.if %cond3A_336 {
        %sub3A = arith.constant 10 : i32
        %sub3A_532 = arith.subi %add3A_315, %sub3A : i32
        %dma_wait3A_533 = arith.constant 1 : i32
        %dma_wait3A_534 = arith.constant 1 : i32
        %dma_wait3A_535 = arith.constant 0 : i32
        %dma_wait3A_536 = arith.constant 0 : i32
        %dma_wait3A_537 = arith.constant 0 : i32
        %dma_wait3A_538 = tpu.memref_slice %arg6[%dma_wait3A_533, %dma_wait3A_535, %dma_wait3A_536, %dma_wait3A_537] : memref<2x5x128x64xf32, #tpu.memory_space<vmem>> -> memref<1x5x128x64xf32, #tpu.memory_space<vmem>>
        %dma_wait3A_539 = tpu.memref_squeeze %dma_wait3A_538 : memref<1x5x128x64xf32, #tpu.memory_space<vmem>> -> memref<5x128x64xf32, #tpu.memory_space<vmem>>
        %dma_wait3A_540 = arith.constant 0 : i32
        %dma_wait3A_541 = arith.constant 0 : i32
        %dma_wait3A_542 = tpu.memref_slice %arg4[%sub3A_532, %dma_wait3A_540, %dma_wait3A_541] : memref<6400x128x64xf32, #tpu.memory_space<hbm>> -> memref<5x128x64xf32, #tpu.memory_space<hbm>>
        %dma_wait3A_543 = tpu.memref_slice %arg9[%dma_wait3A_534] : memref<2x!tpu.dma_semaphore, #tpu.memory_space<semaphore_mem>> -> memref<1x!tpu.dma_semaphore, #tpu.memory_space<semaphore_mem>>
        %dma_wait3A_544 = tpu.memref_squeeze %dma_wait3A_543 : memref<1x!tpu.dma_semaphore, #tpu.memory_space<semaphore_mem>> -> memref<!tpu.dma_semaphore, #tpu.memory_space<semaphore_mem>>
        %dma_wait3A_545 = arith.constant 0 : i32
        %dma_wait3A_546 = arith.constant 0 : i32
        %dma_wait3A_547 = tpu.memref_slice %arg4[%sub3A_532, %dma_wait3A_545, %dma_wait3A_546] : memref<6400x128x64xf32, #tpu.memory_space<hbm>> -> memref<5x128x64xf32, #tpu.memory_space<hbm>>
        %dma_wait3A_548 = arith.constant 0 : i32
        %dma_wait3A_549 = arith.constant 0 : i32
        %dma_wait3A_550 = arith.constant 0 : i32
        %dma_wait3A_551 = tpu.memref_slice %arg6[%dma_wait3A_533, %dma_wait3A_548, %dma_wait3A_549, %dma_wait3A_550] : memref<2x5x128x64xf32, #tpu.memory_space<vmem>> -> memref<1x5x128x64xf32, #tpu.memory_space<vmem>>
        %dma_wait3A_552 = tpu.memref_squeeze %dma_wait3A_551 : memref<1x5x128x64xf32, #tpu.memory_space<vmem>> -> memref<5x128x64xf32, #tpu.memory_space<vmem>>
        tpu.wait_dma2 semaphore(%dma_wait3A_544 : memref<!tpu.dma_semaphore, #tpu.memory_space<semaphore_mem>>) src(%dma_wait3A_552 : memref<5x128x64xf32, #tpu.memory_space<vmem>>) dst(%dma_wait3A_547 : memref<5x128x64xf32, #tpu.memory_space<hbm>>)
      } else {
      }
      %dma_start3A_337 = arith.constant 1 : i32
      %dma_start3A_338 = arith.constant 0 : i32
      %dma_start3A_339 = arith.constant 1 : i32
      %dma_start3A_340 = arith.constant 0 : i32
      %dma_start3A_341 = arith.constant 1 : i32
      %dma_start3A_342 = arith.constant 0 : i32
      %dma_start3A_343 = arith.constant 0 : i32
      %dma_start3A_344 = tpu.memref_slice %arg6[%dma_start3A_339, %dma_start3A_340, %dma_start3A_342, %dma_start3A_343] : memref<2x5x128x64xf32, #tpu.memory_space<vmem>> -> memref<1x1x128x64xf32, #tpu.memory_space<vmem>>
      %dma_start3A_345 = tpu.memref_squeeze %dma_start3A_344 : memref<1x1x128x64xf32, #tpu.memory_space<vmem>> -> memref<128x64xf32, #tpu.memory_space<vmem>>
      %dma_start3A_346 = arith.constant 0 : i32
      %dma_start3A_347 = tpu.memref_slice %arg5[%dma_start3A_337, %dma_start3A_338, %dma_start3A_346] : memref<2x5x128xi32, #tpu.memory_space<vmem>> -> memref<1x1x128xi32, #tpu.memory_space<vmem>>
      %dma_start3A_348 = tpu.memref_squeeze %dma_start3A_347 : memref<1x1x128xi32, #tpu.memory_space<vmem>> -> memref<128xi32, #tpu.memory_space<vmem>>
      %dma_start3A_349 = arith.constant 0 : i32
      %dma_start3A_350 = arith.constant 0 : i32
      %dma_start3A_351 = tpu.memref_slice %arg2[%dma_start3A_349, %dma_start3A_350] : memref<1000000x64xf32, #tpu.memory_space<hbm>> -> memref<1000000x64xf32, #tpu.memory_space<hbm>>
      %dma_start3A_352 = tpu.memref_slice %arg8[%dma_start3A_341] : memref<2x!tpu.dma_semaphore, #tpu.memory_space<semaphore_mem>> -> memref<1x!tpu.dma_semaphore, #tpu.memory_space<semaphore_mem>>
      %dma_start3A_353 = tpu.memref_squeeze %dma_start3A_352 : memref<1x!tpu.dma_semaphore, #tpu.memory_space<semaphore_mem>> -> memref<!tpu.dma_semaphore, #tpu.memory_space<semaphore_mem>>
      tpu.enqueue_indirect_dma source(%dma_start3A_351 : memref<1000000x64xf32, #tpu.memory_space<hbm>>) target(%dma_start3A_345 : memref<128x64xf32, #tpu.memory_space<vmem>>) offsets(%dma_start3A_348 : memref<128xi32, #tpu.memory_space<vmem>>) semaphore(%dma_start3A_353 : memref<!tpu.dma_semaphore, #tpu.memory_space<semaphore_mem>>)
      %dma_start3A_354 = arith.constant 1 : i32
      %dma_start3A_355 = arith.constant 1 : i32
      %dma_start3A_356 = arith.constant 1 : i32
      %dma_start3A_357 = arith.constant 1 : i32
      %dma_start3A_358 = arith.constant 1 : i32
      %dma_start3A_359 = arith.constant 0 : i32
      %dma_start3A_360 = arith.constant 0 : i32
      %dma_start3A_361 = tpu.memref_slice %arg6[%dma_start3A_356, %dma_start3A_357, %dma_start3A_359, %dma_start3A_360] : memref<2x5x128x64xf32, #tpu.memory_space<vmem>> -> memref<1x1x128x64xf32, #tpu.memory_space<vmem>>
      %dma_start3A_362 = tpu.memref_squeeze %dma_start3A_361 : memref<1x1x128x64xf32, #tpu.memory_space<vmem>> -> memref<128x64xf32, #tpu.memory_space<vmem>>
      %dma_start3A_363 = arith.constant 0 : i32
      %dma_start3A_364 = tpu.memref_slice %arg5[%dma_start3A_354, %dma_start3A_355, %dma_start3A_363] : memref<2x5x128xi32, #tpu.memory_space<vmem>> -> memref<1x1x128xi32, #tpu.memory_space<vmem>>
      %dma_start3A_365 = tpu.memref_squeeze %dma_start3A_364 : memref<1x1x128xi32, #tpu.memory_space<vmem>> -> memref<128xi32, #tpu.memory_space<vmem>>
      %dma_start3A_366 = arith.constant 0 : i32
      %dma_start3A_367 = arith.constant 0 : i32
      %dma_start3A_368 = tpu.memref_slice %arg2[%dma_start3A_366, %dma_start3A_367] : memref<1000000x64xf32, #tpu.memory_space<hbm>> -> memref<1000000x64xf32, #tpu.memory_space<hbm>>
      %dma_start3A_369 = tpu.memref_slice %arg8[%dma_start3A_358] : memref<2x!tpu.dma_semaphore, #tpu.memory_space<semaphore_mem>> -> memref<1x!tpu.dma_semaphore, #tpu.memory_space<semaphore_mem>>
      %dma_start3A_370 = tpu.memref_squeeze %dma_start3A_369 : memref<1x!tpu.dma_semaphore, #tpu.memory_space<semaphore_mem>> -> memref<!tpu.dma_semaphore, #tpu.memory_space<semaphore_mem>>
      tpu.enqueue_indirect_dma source(%dma_start3A_368 : memref<1000000x64xf32, #tpu.memory_space<hbm>>) target(%dma_start3A_362 : memref<128x64xf32, #tpu.memory_space<vmem>>) offsets(%dma_start3A_365 : memref<128xi32, #tpu.memory_space<vmem>>) semaphore(%dma_start3A_370 : memref<!tpu.dma_semaphore, #tpu.memory_space<semaphore_mem>>)
      %dma_start3A_371 = arith.constant 1 : i32
      %dma_start3A_372 = arith.constant 2 : i32
      %dma_start3A_373 = arith.constant 1 : i32
      %dma_start3A_374 = arith.constant 2 : i32
      %dma_start3A_375 = arith.constant 1 : i32
      %dma_start3A_376 = arith.constant 0 : i32
      %dma_start3A_377 = arith.constant 0 : i32
      %dma_start3A_378 = tpu.memref_slice %arg6[%dma_start3A_373, %dma_start3A_374, %dma_start3A_376, %dma_start3A_377] : memref<2x5x128x64xf32, #tpu.memory_space<vmem>> -> memref<1x1x128x64xf32, #tpu.memory_space<vmem>>
      %dma_start3A_379 = tpu.memref_squeeze %dma_start3A_378 : memref<1x1x128x64xf32, #tpu.memory_space<vmem>> -> memref<128x64xf32, #tpu.memory_space<vmem>>
      %dma_start3A_380 = arith.constant 0 : i32
      %dma_start3A_381 = tpu.memref_slice %arg5[%dma_start3A_371, %dma_start3A_372, %dma_start3A_380] : memref<2x5x128xi32, #tpu.memory_space<vmem>> -> memref<1x1x128xi32, #tpu.memory_space<vmem>>
      %dma_start3A_382 = tpu.memref_squeeze %dma_start3A_381 : memref<1x1x128xi32, #tpu.memory_space<vmem>> -> memref<128xi32, #tpu.memory_space<vmem>>
      %dma_start3A_383 = arith.constant 0 : i32
      %dma_start3A_384 = arith.constant 0 : i32
      %dma_start3A_385 = tpu.memref_slice %arg2[%dma_start3A_383, %dma_start3A_384] : memref<1000000x64xf32, #tpu.memory_space<hbm>> -> memref<1000000x64xf32, #tpu.memory_space<hbm>>
      %dma_start3A_386 = tpu.memref_slice %arg8[%dma_start3A_375] : memref<2x!tpu.dma_semaphore, #tpu.memory_space<semaphore_mem>> -> memref<1x!tpu.dma_semaphore, #tpu.memory_space<semaphore_mem>>
      %dma_start3A_387 = tpu.memref_squeeze %dma_start3A_386 : memref<1x!tpu.dma_semaphore, #tpu.memory_space<semaphore_mem>> -> memref<!tpu.dma_semaphore, #tpu.memory_space<semaphore_mem>>
      tpu.enqueue_indirect_dma source(%dma_start3A_385 : memref<1000000x64xf32, #tpu.memory_space<hbm>>) target(%dma_start3A_379 : memref<128x64xf32, #tpu.memory_space<vmem>>) offsets(%dma_start3A_382 : memref<128xi32, #tpu.memory_space<vmem>>) semaphore(%dma_start3A_387 : memref<!tpu.dma_semaphore, #tpu.memory_space<semaphore_mem>>)
      %dma_start3A_388 = arith.constant 1 : i32
      %dma_start3A_389 = arith.constant 3 : i32
      %dma_start3A_390 = arith.constant 1 : i32
      %dma_start3A_391 = arith.constant 3 : i32
      %dma_start3A_392 = arith.constant 1 : i32
      %dma_start3A_393 = arith.constant 0 : i32
      %dma_start3A_394 = arith.constant 0 : i32
      %dma_start3A_395 = tpu.memref_slice %arg6[%dma_start3A_390, %dma_start3A_391, %dma_start3A_393, %dma_start3A_394] : memref<2x5x128x64xf32, #tpu.memory_space<vmem>> -> memref<1x1x128x64xf32, #tpu.memory_space<vmem>>
      %dma_start3A_396 = tpu.memref_squeeze %dma_start3A_395 : memref<1x1x128x64xf32, #tpu.memory_space<vmem>> -> memref<128x64xf32, #tpu.memory_space<vmem>>
      %dma_start3A_397 = arith.constant 0 : i32
      %dma_start3A_398 = tpu.memref_slice %arg5[%dma_start3A_388, %dma_start3A_389, %dma_start3A_397] : memref<2x5x128xi32, #tpu.memory_space<vmem>> -> memref<1x1x128xi32, #tpu.memory_space<vmem>>
      %dma_start3A_399 = tpu.memref_squeeze %dma_start3A_398 : memref<1x1x128xi32, #tpu.memory_space<vmem>> -> memref<128xi32, #tpu.memory_space<vmem>>
      %dma_start3A_400 = arith.constant 0 : i32
      %dma_start3A_401 = arith.constant 0 : i32
      %dma_start3A_402 = tpu.memref_slice %arg2[%dma_start3A_400, %dma_start3A_401] : memref<1000000x64xf32, #tpu.memory_space<hbm>> -> memref<1000000x64xf32, #tpu.memory_space<hbm>>
      %dma_start3A_403 = tpu.memref_slice %arg8[%dma_start3A_392] : memref<2x!tpu.dma_semaphore, #tpu.memory_space<semaphore_mem>> -> memref<1x!tpu.dma_semaphore, #tpu.memory_space<semaphore_mem>>
      %dma_start3A_404 = tpu.memref_squeeze %dma_start3A_403 : memref<1x!tpu.dma_semaphore, #tpu.memory_space<semaphore_mem>> -> memref<!tpu.dma_semaphore, #tpu.memory_space<semaphore_mem>>
      tpu.enqueue_indirect_dma source(%dma_start3A_402 : memref<1000000x64xf32, #tpu.memory_space<hbm>>) target(%dma_start3A_396 : memref<128x64xf32, #tpu.memory_space<vmem>>) offsets(%dma_start3A_399 : memref<128xi32, #tpu.memory_space<vmem>>) semaphore(%dma_start3A_404 : memref<!tpu.dma_semaphore, #tpu.memory_space<semaphore_mem>>)
      %dma_start3A_405 = arith.constant 1 : i32
      %dma_start3A_406 = arith.constant 4 : i32
      %dma_start3A_407 = arith.constant 1 : i32
      %dma_start3A_408 = arith.constant 4 : i32
      %dma_start3A_409 = arith.constant 1 : i32
      %dma_start3A_410 = arith.constant 0 : i32
      %dma_start3A_411 = arith.constant 0 : i32
      %dma_start3A_412 = tpu.memref_slice %arg6[%dma_start3A_407, %dma_start3A_408, %dma_start3A_410, %dma_start3A_411] : memref<2x5x128x64xf32, #tpu.memory_space<vmem>> -> memref<1x1x128x64xf32, #tpu.memory_space<vmem>>
      %dma_start3A_413 = tpu.memref_squeeze %dma_start3A_412 : memref<1x1x128x64xf32, #tpu.memory_space<vmem>> -> memref<128x64xf32, #tpu.memory_space<vmem>>
      %dma_start3A_414 = arith.constant 0 : i32
      %dma_start3A_415 = tpu.memref_slice %arg5[%dma_start3A_405, %dma_start3A_406, %dma_start3A_414] : memref<2x5x128xi32, #tpu.memory_space<vmem>> -> memref<1x1x128xi32, #tpu.memory_space<vmem>>
      %dma_start3A_416 = tpu.memref_squeeze %dma_start3A_415 : memref<1x1x128xi32, #tpu.memory_space<vmem>> -> memref<128xi32, #tpu.memory_space<vmem>>
      %dma_start3A_417 = arith.constant 0 : i32
      %dma_start3A_418 = arith.constant 0 : i32
      %dma_start3A_419 = tpu.memref_slice %arg2[%dma_start3A_417, %dma_start3A_418] : memref<1000000x64xf32, #tpu.memory_space<hbm>> -> memref<1000000x64xf32, #tpu.memory_space<hbm>>
      %dma_start3A_420 = tpu.memref_slice %arg8[%dma_start3A_409] : memref<2x!tpu.dma_semaphore, #tpu.memory_space<semaphore_mem>> -> memref<1x!tpu.dma_semaphore, #tpu.memory_space<semaphore_mem>>
      %dma_start3A_421 = tpu.memref_squeeze %dma_start3A_420 : memref<1x!tpu.dma_semaphore, #tpu.memory_space<semaphore_mem>> -> memref<!tpu.dma_semaphore, #tpu.memory_space<semaphore_mem>>
      tpu.enqueue_indirect_dma source(%dma_start3A_419 : memref<1000000x64xf32, #tpu.memory_space<hbm>>) target(%dma_start3A_413 : memref<128x64xf32, #tpu.memory_space<vmem>>) offsets(%dma_start3A_416 : memref<128xi32, #tpu.memory_space<vmem>>) semaphore(%dma_start3A_421 : memref<!tpu.dma_semaphore, #tpu.memory_space<semaphore_mem>>)
      %dma_wait3A_422 = arith.constant 1 : i32
      %dma_wait3A_423 = arith.constant 0 : i32
      %dma_wait3A_424 = arith.constant 1 : i32
      %dma_wait3A_425 = arith.constant 0 : i32
      %dma_wait3A_426 = arith.constant 1 : i32
      %dma_wait3A_427 = arith.constant 0 : i32
      %dma_wait3A_428 = arith.constant 0 : i32
      %dma_wait3A_429 = tpu.memref_slice %arg6[%dma_wait3A_424, %dma_wait3A_425, %dma_wait3A_427, %dma_wait3A_428] : memref<2x5x128x64xf32, #tpu.memory_space<vmem>> -> memref<1x1x128x64xf32, #tpu.memory_space<vmem>>
      %dma_wait3A_430 = tpu.memref_squeeze %dma_wait3A_429 : memref<1x1x128x64xf32, #tpu.memory_space<vmem>> -> memref<128x64xf32, #tpu.memory_space<vmem>>
      %dma_wait3A_431 = arith.constant 0 : i32
      %dma_wait3A_432 = tpu.memref_slice %arg5[%dma_wait3A_422, %dma_wait3A_423, %dma_wait3A_431] : memref<2x5x128xi32, #tpu.memory_space<vmem>> -> memref<1x1x128xi32, #tpu.memory_space<vmem>>
      %dma_wait3A_433 = tpu.memref_squeeze %dma_wait3A_432 : memref<1x1x128xi32, #tpu.memory_space<vmem>> -> memref<128xi32, #tpu.memory_space<vmem>>
      %dma_wait3A_434 = arith.constant 0 : i32
      %dma_wait3A_435 = arith.constant 0 : i32
      %dma_wait3A_436 = tpu.memref_slice %arg2[%dma_wait3A_434, %dma_wait3A_435] : memref<1000000x64xf32, #tpu.memory_space<hbm>> -> memref<1000000x64xf32, #tpu.memory_space<hbm>>
      %dma_wait3A_437 = tpu.memref_slice %arg8[%dma_wait3A_426] : memref<2x!tpu.dma_semaphore, #tpu.memory_space<semaphore_mem>> -> memref<1x!tpu.dma_semaphore, #tpu.memory_space<semaphore_mem>>
      %dma_wait3A_438 = tpu.memref_squeeze %dma_wait3A_437 : memref<1x!tpu.dma_semaphore, #tpu.memory_space<semaphore_mem>> -> memref<!tpu.dma_semaphore, #tpu.memory_space<semaphore_mem>>
      tpu.wait_indirect_dma semaphore(%dma_wait3A_438 : memref<!tpu.dma_semaphore, #tpu.memory_space<semaphore_mem>>) src(%dma_wait3A_436 : memref<1000000x64xf32, #tpu.memory_space<hbm>>) dst(%dma_wait3A_430 : memref<128x64xf32, #tpu.memory_space<vmem>>)
      %dma_wait3A_439 = arith.constant 1 : i32
      %dma_wait3A_440 = arith.constant 1 : i32
      %dma_wait3A_441 = arith.constant 1 : i32
      %dma_wait3A_442 = arith.constant 1 : i32
      %dma_wait3A_443 = arith.constant 1 : i32
      %dma_wait3A_444 = arith.constant 0 : i32
      %dma_wait3A_445 = arith.constant 0 : i32
      %dma_wait3A_446 = tpu.memref_slice %arg6[%dma_wait3A_441, %dma_wait3A_442, %dma_wait3A_444, %dma_wait3A_445] : memref<2x5x128x64xf32, #tpu.memory_space<vmem>> -> memref<1x1x128x64xf32, #tpu.memory_space<vmem>>
      %dma_wait3A_447 = tpu.memref_squeeze %dma_wait3A_446 : memref<1x1x128x64xf32, #tpu.memory_space<vmem>> -> memref<128x64xf32, #tpu.memory_space<vmem>>
      %dma_wait3A_448 = arith.constant 0 : i32
      %dma_wait3A_449 = tpu.memref_slice %arg5[%dma_wait3A_439, %dma_wait3A_440, %dma_wait3A_448] : memref<2x5x128xi32, #tpu.memory_space<vmem>> -> memref<1x1x128xi32, #tpu.memory_space<vmem>>
      %dma_wait3A_450 = tpu.memref_squeeze %dma_wait3A_449 : memref<1x1x128xi32, #tpu.memory_space<vmem>> -> memref<128xi32, #tpu.memory_space<vmem>>
      %dma_wait3A_451 = arith.constant 0 : i32
      %dma_wait3A_452 = arith.constant 0 : i32
      %dma_wait3A_453 = tpu.memref_slice %arg2[%dma_wait3A_451, %dma_wait3A_452] : memref<1000000x64xf32, #tpu.memory_space<hbm>> -> memref<1000000x64xf32, #tpu.memory_space<hbm>>
      %dma_wait3A_454 = tpu.memref_slice %arg8[%dma_wait3A_443] : memref<2x!tpu.dma_semaphore, #tpu.memory_space<semaphore_mem>> -> memref<1x!tpu.dma_semaphore, #tpu.memory_space<semaphore_mem>>
      %dma_wait3A_455 = tpu.memref_squeeze %dma_wait3A_454 : memref<1x!tpu.dma_semaphore, #tpu.memory_space<semaphore_mem>> -> memref<!tpu.dma_semaphore, #tpu.memory_space<semaphore_mem>>
      tpu.wait_indirect_dma semaphore(%dma_wait3A_455 : memref<!tpu.dma_semaphore, #tpu.memory_space<semaphore_mem>>) src(%dma_wait3A_453 : memref<1000000x64xf32, #tpu.memory_space<hbm>>) dst(%dma_wait3A_447 : memref<128x64xf32, #tpu.memory_space<vmem>>)
      %dma_wait3A_456 = arith.constant 1 : i32
      %dma_wait3A_457 = arith.constant 2 : i32
      %dma_wait3A_458 = arith.constant 1 : i32
      %dma_wait3A_459 = arith.constant 2 : i32
      %dma_wait3A_460 = arith.constant 1 : i32
      %dma_wait3A_461 = arith.constant 0 : i32
      %dma_wait3A_462 = arith.constant 0 : i32
      %dma_wait3A_463 = tpu.memref_slice %arg6[%dma_wait3A_458, %dma_wait3A_459, %dma_wait3A_461, %dma_wait3A_462] : memref<2x5x128x64xf32, #tpu.memory_space<vmem>> -> memref<1x1x128x64xf32, #tpu.memory_space<vmem>>
      %dma_wait3A_464 = tpu.memref_squeeze %dma_wait3A_463 : memref<1x1x128x64xf32, #tpu.memory_space<vmem>> -> memref<128x64xf32, #tpu.memory_space<vmem>>
      %dma_wait3A_465 = arith.constant 0 : i32
      %dma_wait3A_466 = tpu.memref_slice %arg5[%dma_wait3A_456, %dma_wait3A_457, %dma_wait3A_465] : memref<2x5x128xi32, #tpu.memory_space<vmem>> -> memref<1x1x128xi32, #tpu.memory_space<vmem>>
      %dma_wait3A_467 = tpu.memref_squeeze %dma_wait3A_466 : memref<1x1x128xi32, #tpu.memory_space<vmem>> -> memref<128xi32, #tpu.memory_space<vmem>>
      %dma_wait3A_468 = arith.constant 0 : i32
      %dma_wait3A_469 = arith.constant 0 : i32
      %dma_wait3A_470 = tpu.memref_slice %arg2[%dma_wait3A_468, %dma_wait3A_469] : memref<1000000x64xf32, #tpu.memory_space<hbm>> -> memref<1000000x64xf32, #tpu.memory_space<hbm>>
      %dma_wait3A_471 = tpu.memref_slice %arg8[%dma_wait3A_460] : memref<2x!tpu.dma_semaphore, #tpu.memory_space<semaphore_mem>> -> memref<1x!tpu.dma_semaphore, #tpu.memory_space<semaphore_mem>>
      %dma_wait3A_472 = tpu.memref_squeeze %dma_wait3A_471 : memref<1x!tpu.dma_semaphore, #tpu.memory_space<semaphore_mem>> -> memref<!tpu.dma_semaphore, #tpu.memory_space<semaphore_mem>>
      tpu.wait_indirect_dma semaphore(%dma_wait3A_472 : memref<!tpu.dma_semaphore, #tpu.memory_space<semaphore_mem>>) src(%dma_wait3A_470 : memref<1000000x64xf32, #tpu.memory_space<hbm>>) dst(%dma_wait3A_464 : memref<128x64xf32, #tpu.memory_space<vmem>>)
      %dma_wait3A_473 = arith.constant 1 : i32
      %dma_wait3A_474 = arith.constant 3 : i32
      %dma_wait3A_475 = arith.constant 1 : i32
      %dma_wait3A_476 = arith.constant 3 : i32
      %dma_wait3A_477 = arith.constant 1 : i32
      %dma_wait3A_478 = arith.constant 0 : i32
      %dma_wait3A_479 = arith.constant 0 : i32
      %dma_wait3A_480 = tpu.memref_slice %arg6[%dma_wait3A_475, %dma_wait3A_476, %dma_wait3A_478, %dma_wait3A_479] : memref<2x5x128x64xf32, #tpu.memory_space<vmem>> -> memref<1x1x128x64xf32, #tpu.memory_space<vmem>>
      %dma_wait3A_481 = tpu.memref_squeeze %dma_wait3A_480 : memref<1x1x128x64xf32, #tpu.memory_space<vmem>> -> memref<128x64xf32, #tpu.memory_space<vmem>>
      %dma_wait3A_482 = arith.constant 0 : i32
      %dma_wait3A_483 = tpu.memref_slice %arg5[%dma_wait3A_473, %dma_wait3A_474, %dma_wait3A_482] : memref<2x5x128xi32, #tpu.memory_space<vmem>> -> memref<1x1x128xi32, #tpu.memory_space<vmem>>
      %dma_wait3A_484 = tpu.memref_squeeze %dma_wait3A_483 : memref<1x1x128xi32, #tpu.memory_space<vmem>> -> memref<128xi32, #tpu.memory_space<vmem>>
      %dma_wait3A_485 = arith.constant 0 : i32
      %dma_wait3A_486 = arith.constant 0 : i32
      %dma_wait3A_487 = tpu.memref_slice %arg2[%dma_wait3A_485, %dma_wait3A_486] : memref<1000000x64xf32, #tpu.memory_space<hbm>> -> memref<1000000x64xf32, #tpu.memory_space<hbm>>
      %dma_wait3A_488 = tpu.memref_slice %arg8[%dma_wait3A_477] : memref<2x!tpu.dma_semaphore, #tpu.memory_space<semaphore_mem>> -> memref<1x!tpu.dma_semaphore, #tpu.memory_space<semaphore_mem>>
      %dma_wait3A_489 = tpu.memref_squeeze %dma_wait3A_488 : memref<1x!tpu.dma_semaphore, #tpu.memory_space<semaphore_mem>> -> memref<!tpu.dma_semaphore, #tpu.memory_space<semaphore_mem>>
      tpu.wait_indirect_dma semaphore(%dma_wait3A_489 : memref<!tpu.dma_semaphore, #tpu.memory_space<semaphore_mem>>) src(%dma_wait3A_487 : memref<1000000x64xf32, #tpu.memory_space<hbm>>) dst(%dma_wait3A_481 : memref<128x64xf32, #tpu.memory_space<vmem>>)
      %dma_wait3A_490 = arith.constant 1 : i32
      %dma_wait3A_491 = arith.constant 4 : i32
      %dma_wait3A_492 = arith.constant 1 : i32
      %dma_wait3A_493 = arith.constant 4 : i32
      %dma_wait3A_494 = arith.constant 1 : i32
      %dma_wait3A_495 = arith.constant 0 : i32
      %dma_wait3A_496 = arith.constant 0 : i32
      %dma_wait3A_497 = tpu.memref_slice %arg6[%dma_wait3A_492, %dma_wait3A_493, %dma_wait3A_495, %dma_wait3A_496] : memref<2x5x128x64xf32, #tpu.memory_space<vmem>> -> memref<1x1x128x64xf32, #tpu.memory_space<vmem>>
      %dma_wait3A_498 = tpu.memref_squeeze %dma_wait3A_497 : memref<1x1x128x64xf32, #tpu.memory_space<vmem>> -> memref<128x64xf32, #tpu.memory_space<vmem>>
      %dma_wait3A_499 = arith.constant 0 : i32
      %dma_wait3A_500 = tpu.memref_slice %arg5[%dma_wait3A_490, %dma_wait3A_491, %dma_wait3A_499] : memref<2x5x128xi32, #tpu.memory_space<vmem>> -> memref<1x1x128xi32, #tpu.memory_space<vmem>>
      %dma_wait3A_501 = tpu.memref_squeeze %dma_wait3A_500 : memref<1x1x128xi32, #tpu.memory_space<vmem>> -> memref<128xi32, #tpu.memory_space<vmem>>
      %dma_wait3A_502 = arith.constant 0 : i32
      %dma_wait3A_503 = arith.constant 0 : i32
      %dma_wait3A_504 = tpu.memref_slice %arg2[%dma_wait3A_502, %dma_wait3A_503] : memref<1000000x64xf32, #tpu.memory_space<hbm>> -> memref<1000000x64xf32, #tpu.memory_space<hbm>>
      %dma_wait3A_505 = tpu.memref_slice %arg8[%dma_wait3A_494] : memref<2x!tpu.dma_semaphore, #tpu.memory_space<semaphore_mem>> -> memref<1x!tpu.dma_semaphore, #tpu.memory_space<semaphore_mem>>
      %dma_wait3A_506 = tpu.memref_squeeze %dma_wait3A_505 : memref<1x!tpu.dma_semaphore, #tpu.memory_space<semaphore_mem>> -> memref<!tpu.dma_semaphore, #tpu.memory_space<semaphore_mem>>
      tpu.wait_indirect_dma semaphore(%dma_wait3A_506 : memref<!tpu.dma_semaphore, #tpu.memory_space<semaphore_mem>>) src(%dma_wait3A_504 : memref<1000000x64xf32, #tpu.memory_space<hbm>>) dst(%dma_wait3A_498 : memref<128x64xf32, #tpu.memory_space<vmem>>)
      %dma_start3A_507 = arith.constant 1 : i32
      %dma_start3A_508 = arith.constant 1 : i32
      %dma_start3A_509 = arith.constant 0 : i32
      %dma_start3A_510 = arith.constant 0 : i32
      %dma_start3A_511 = arith.constant 0 : i32
      %dma_start3A_512 = tpu.memref_slice %arg6[%dma_start3A_507, %dma_start3A_509, %dma_start3A_510, %dma_start3A_511] : memref<2x5x128x64xf32, #tpu.memory_space<vmem>> -> memref<1x5x128x64xf32, #tpu.memory_space<vmem>>
      %dma_start3A_513 = tpu.memref_squeeze %dma_start3A_512 : memref<1x5x128x64xf32, #tpu.memory_space<vmem>> -> memref<5x128x64xf32, #tpu.memory_space<vmem>>
      %dma_start3A_514 = arith.constant 0 : i32
      %dma_start3A_515 = arith.constant 0 : i32
      %dma_start3A_516 = tpu.memref_slice %arg4[%add3A_315, %dma_start3A_514, %dma_start3A_515] : memref<6400x128x64xf32, #tpu.memory_space<hbm>> -> memref<5x128x64xf32, #tpu.memory_space<hbm>>
      %dma_start3A_517 = tpu.memref_slice %arg9[%dma_start3A_508] : memref<2x!tpu.dma_semaphore, #tpu.memory_space<semaphore_mem>> -> memref<1x!tpu.dma_semaphore, #tpu.memory_space<semaphore_mem>>
      %dma_start3A_518 = tpu.memref_squeeze %dma_start3A_517 : memref<1x!tpu.dma_semaphore, #tpu.memory_space<semaphore_mem>> -> memref<!tpu.dma_semaphore, #tpu.memory_space<semaphore_mem>>
      %dma_start3A_519 = arith.constant 0 : i32
      %dma_start3A_520 = arith.constant 0 : i32
      %dma_start3A_521 = tpu.memref_slice %arg4[%add3A_315, %dma_start3A_519, %dma_start3A_520] : memref<6400x128x64xf32, #tpu.memory_space<hbm>> -> memref<5x128x64xf32, #tpu.memory_space<hbm>>
      %dma_start3A_522 = arith.constant 0 : i32
      %dma_start3A_523 = arith.constant 0 : i32
      %dma_start3A_524 = arith.constant 0 : i32
      %dma_start3A_525 = tpu.memref_slice %arg6[%dma_start3A_507, %dma_start3A_522, %dma_start3A_523, %dma_start3A_524] : memref<2x5x128x64xf32, #tpu.memory_space<vmem>> -> memref<1x5x128x64xf32, #tpu.memory_space<vmem>>
      %dma_start3A_526 = tpu.memref_squeeze %dma_start3A_525 : memref<1x5x128x64xf32, #tpu.memory_space<vmem>> -> memref<5x128x64xf32, #tpu.memory_space<vmem>>
      tpu.enqueue_dma source(%dma_start3A_526 : memref<5x128x64xf32, #tpu.memory_space<vmem>>) target(%dma_start3A_521 : memref<5x128x64xf32, #tpu.memory_space<hbm>>) target_semaphore(%dma_start3A_518 : memref<!tpu.dma_semaphore, #tpu.memory_space<semaphore_mem>>)
      %lt3A_527 = arith.constant 19 : i32
      %lt3A_528 = arith.cmpi slt, %add3A_89, %lt3A_527 : i32
      %convert_element_type3A_529 = arith.extui %lt3A_528 : i1 to i32
      %cond3A_530 = arith.constant 0 : i32
      %cond3A_531 = arith.cmpi ne, %convert_element_type3A_529, %cond3A_530 : i32
      scf.if %cond3A_531 {
        %add3A_532 = arith.constant 10 : i32
        %add3A_533 = arith.addi %add3A_315, %add3A_532 : i32
        %dma_start3A_534 = arith.constant 1 : i32
        %dma_start3A_535 = arith.constant 1 : i32
        %dma_start3A_536 = arith.constant 0 : i32
        %dma_start3A_537 = arith.constant 0 : i32
        %dma_start3A_538 = tpu.memref_slice %arg5[%dma_start3A_534, %dma_start3A_536, %dma_start3A_537] : memref<2x5x128xi32, #tpu.memory_space<vmem>> -> memref<1x5x128xi32, #tpu.memory_space<vmem>>
        %dma_start3A_539 = tpu.memref_squeeze %dma_start3A_538 : memref<1x5x128xi32, #tpu.memory_space<vmem>> -> memref<5x128xi32, #tpu.memory_space<vmem>>
        %dma_start3A_540 = arith.constant 0 : i32
        %dma_start3A_541 = tpu.memref_slice %arg3[%add3A_533, %dma_start3A_540] : memref<6400x128xi32, #tpu.memory_space<hbm>> -> memref<5x128xi32, #tpu.memory_space<hbm>>
        %dma_start3A_542 = tpu.memref_slice %arg7[%dma_start3A_535] : memref<2x!tpu.dma_semaphore, #tpu.memory_space<semaphore_mem>> -> memref<1x!tpu.dma_semaphore, #tpu.memory_space<semaphore_mem>>
        %dma_start3A_543 = tpu.memref_squeeze %dma_start3A_542 : memref<1x!tpu.dma_semaphore, #tpu.memory_space<semaphore_mem>> -> memref<!tpu.dma_semaphore, #tpu.memory_space<semaphore_mem>>
        %dma_start3A_544 = arith.constant 0 : i32
        %dma_start3A_545 = arith.constant 0 : i32
        %dma_start3A_546 = tpu.memref_slice %arg5[%dma_start3A_534, %dma_start3A_544, %dma_start3A_545] : memref<2x5x128xi32, #tpu.memory_space<vmem>> -> memref<1x5x128xi32, #tpu.memory_space<vmem>>
        %dma_start3A_547 = tpu.memref_squeeze %dma_start3A_546 : memref<1x5x128xi32, #tpu.memory_space<vmem>> -> memref<5x128xi32, #tpu.memory_space<vmem>>
        %dma_start3A_548 = arith.constant 0 : i32
        %dma_start3A_549 = tpu.memref_slice %arg3[%add3A_533, %dma_start3A_548] : memref<6400x128xi32, #tpu.memory_space<hbm>> -> memref<5x128xi32, #tpu.memory_space<hbm>>
        tpu.enqueue_dma source(%dma_start3A_549 : memref<5x128xi32, #tpu.memory_space<hbm>>) target(%dma_start3A_547 : memref<5x128xi32, #tpu.memory_space<vmem>>) target_semaphore(%dma_start3A_543 : memref<!tpu.dma_semaphore, #tpu.memory_space<semaphore_mem>>)
      } else {
      }
    }
    %scan3A_41 = arith.constant 20 : i32
    %add3A_42 = arith.constant 190 : i32
    %add3A_43 = arith.addi %mul3A_2, %add3A_42 : i32
    %dma_wait3A = arith.constant 0 : i32
    %dma_wait3A_44 = arith.constant 0 : i32
    %dma_wait3A_45 = arith.constant 0 : i32
    %dma_wait3A_46 = arith.constant 0 : i32
    %dma_wait3A_47 = arith.constant 0 : i32
    %dma_wait3A_48 = tpu.memref_slice %arg6[%dma_wait3A, %dma_wait3A_45, %dma_wait3A_46, %dma_wait3A_47] : memref<2x5x128x64xf32, #tpu.memory_space<vmem>> -> memref<1x5x128x64xf32, #tpu.memory_space<vmem>>
    %dma_wait3A_49 = tpu.memref_squeeze %dma_wait3A_48 : memref<1x5x128x64xf32, #tpu.memory_space<vmem>> -> memref<5x128x64xf32, #tpu.memory_space<vmem>>
    %dma_wait3A_50 = arith.constant 0 : i32
    %dma_wait3A_51 = arith.constant 0 : i32
    %dma_wait3A_52 = tpu.memref_slice %arg4[%add3A_43, %dma_wait3A_50, %dma_wait3A_51] : memref<6400x128x64xf32, #tpu.memory_space<hbm>> -> memref<5x128x64xf32, #tpu.memory_space<hbm>>
    %dma_wait3A_53 = tpu.memref_slice %arg9[%dma_wait3A_44] : memref<2x!tpu.dma_semaphore, #tpu.memory_space<semaphore_mem>> -> memref<1x!tpu.dma_semaphore, #tpu.memory_space<semaphore_mem>>
    %dma_wait3A_54 = tpu.memref_squeeze %dma_wait3A_53 : memref<1x!tpu.dma_semaphore, #tpu.memory_space<semaphore_mem>> -> memref<!tpu.dma_semaphore, #tpu.memory_space<semaphore_mem>>
    %dma_wait3A_55 = arith.constant 0 : i32
    %dma_wait3A_56 = arith.constant 0 : i32
    %dma_wait3A_57 = tpu.memref_slice %arg4[%add3A_43, %dma_wait3A_55, %dma_wait3A_56] : memref<6400x128x64xf32, #tpu.memory_space<hbm>> -> memref<5x128x64xf32, #tpu.memory_space<hbm>>
    %dma_wait3A_58 = arith.constant 0 : i32
    %dma_wait3A_59 = arith.constant 0 : i32
    %dma_wait3A_60 = arith.constant 0 : i32
    %dma_wait3A_61 = tpu.memref_slice %arg6[%dma_wait3A, %dma_wait3A_58, %dma_wait3A_59, %dma_wait3A_60] : memref<2x5x128x64xf32, #tpu.memory_space<vmem>> -> memref<1x5x128x64xf32, #tpu.memory_space<vmem>>
    %dma_wait3A_62 = tpu.memref_squeeze %dma_wait3A_61 : memref<1x5x128x64xf32, #tpu.memory_space<vmem>> -> memref<5x128x64xf32, #tpu.memory_space<vmem>>
    tpu.wait_dma2 semaphore(%dma_wait3A_54 : memref<!tpu.dma_semaphore, #tpu.memory_space<semaphore_mem>>) src(%dma_wait3A_62 : memref<5x128x64xf32, #tpu.memory_space<vmem>>) dst(%dma_wait3A_57 : memref<5x128x64xf32, #tpu.memory_space<hbm>>)
    %add3A_63 = arith.constant 195 : i32
    %add3A_64 = arith.addi %mul3A_2, %add3A_63 : i32
    %dma_wait3A_65 = arith.constant 1 : i32
    %dma_wait3A_66 = arith.constant 1 : i32
    %dma_wait3A_67 = arith.constant 0 : i32
    %dma_wait3A_68 = arith.constant 0 : i32
    %dma_wait3A_69 = arith.constant 0 : i32
    %dma_wait3A_70 = tpu.memref_slice %arg6[%dma_wait3A_65, %dma_wait3A_67, %dma_wait3A_68, %dma_wait3A_69] : memref<2x5x128x64xf32, #tpu.memory_space<vmem>> -> memref<1x5x128x64xf32, #tpu.memory_space<vmem>>
    %dma_wait3A_71 = tpu.memref_squeeze %dma_wait3A_70 : memref<1x5x128x64xf32, #tpu.memory_space<vmem>> -> memref<5x128x64xf32, #tpu.memory_space<vmem>>
    %dma_wait3A_72 = arith.constant 0 : i32
    %dma_wait3A_73 = arith.constant 0 : i32
    %dma_wait3A_74 = tpu.memref_slice %arg4[%add3A_64, %dma_wait3A_72, %dma_wait3A_73] : memref<6400x128x64xf32, #tpu.memory_space<hbm>> -> memref<5x128x64xf32, #tpu.memory_space<hbm>>
    %dma_wait3A_75 = tpu.memref_slice %arg9[%dma_wait3A_66] : memref<2x!tpu.dma_semaphore, #tpu.memory_space<semaphore_mem>> -> memref<1x!tpu.dma_semaphore, #tpu.memory_space<semaphore_mem>>
    %dma_wait3A_76 = tpu.memref_squeeze %dma_wait3A_75 : memref<1x!tpu.dma_semaphore, #tpu.memory_space<semaphore_mem>> -> memref<!tpu.dma_semaphore, #tpu.memory_space<semaphore_mem>>
    %dma_wait3A_77 = arith.constant 0 : i32
    %dma_wait3A_78 = arith.constant 0 : i32
    %dma_wait3A_79 = tpu.memref_slice %arg4[%add3A_64, %dma_wait3A_77, %dma_wait3A_78] : memref<6400x128x64xf32, #tpu.memory_space<hbm>> -> memref<5x128x64xf32, #tpu.memory_space<hbm>>
    %dma_wait3A_80 = arith.constant 0 : i32
    %dma_wait3A_81 = arith.constant 0 : i32
    %dma_wait3A_82 = arith.constant 0 : i32
    %dma_wait3A_83 = tpu.memref_slice %arg6[%dma_wait3A_65, %dma_wait3A_80, %dma_wait3A_81, %dma_wait3A_82] : memref<2x5x128x64xf32, #tpu.memory_space<vmem>> -> memref<1x5x128x64xf32, #tpu.memory_space<vmem>>
    %dma_wait3A_84 = tpu.memref_squeeze %dma_wait3A_83 : memref<1x5x128x64xf32, #tpu.memory_space<vmem>> -> memref<5x128x64xf32, #tpu.memory_space<vmem>>
    tpu.wait_dma2 semaphore(%dma_wait3A_76 : memref<!tpu.dma_semaphore, #tpu.memory_space<semaphore_mem>>) src(%dma_wait3A_84 : memref<5x128x64xf32, #tpu.memory_space<vmem>>) dst(%dma_wait3A_79 : memref<5x128x64xf32, #tpu.memory_space<hbm>>)
    return
  }
}

</mosaic_0001>

<sc_bundles>
// kernel: kernel.3.cloned.1.call-start
scs
__scs_entry_jumppad:
0x0: {  	(pc) =	sbr.rel $0x88, $3  }
0x1: {  	(tag) =	ssettag $0x0;
	lr =	simm.s32 $0x1  }
0x2: {  	[smem:$0x3F9F] =	sst lr;
	_ =	strace $0xD0000000  }
0x3: {  	_ = 	snop  }
0x4: {  	_ = 	snop  }
0x5: {  	_ = 	snop  }
0x6: {  	_ = 	snop  }
0x7: {  	_ = 	snop  }
__scs_overlays_trampoline_lowered:
0x8: {  	[smem:$0x3FAE] =	sst s0  }
0x9: {  	[smem:$0x3FAF] =	sst s1  }
0xa: {  	[smem:$0x3FB0] =	sst s2  }
0xb: {  	[smem:$0x3FB1] =	sst s3  }
0xc: {  	[smem:$0x3FB2] =	sst s4  }
0xd: {  	[smem:$0x3FB3] =	sst s5  }
0xe: {  	[smem:$0x3FB4] =	sst s6  }
0xf: {  	[smem:$0x3FB5] =	sst s7  }
0x10: {  	[smem:$0x3FB6] =	sst s8  }
0x11: {  	[smem:$0x3FB7] =	sst s9;
	s0 =	simm.s32 @!p0 $0x0  }
0x12: {  	s1 =	sld [smem:$0x3F9D];
	s0 =	simm.s32 @p0 $0x1  }
0x13: {  	[smem:$0x3FB8] =	sst s0;
	s0 =	simm.s32 @!p1 $0x0  }
0x14: {  	s2 =	sld [smem:$0x3F9C];
	s0 =	simm.s32 @p1 $0x1  }
0x15: {  	[smem:$0x3FB9] =	sst s0;
	s0 =	simm.s32 @!p2 $0x0  }
0x16: {  	s3 =	sld [smem:$0x3FDB];
	s0 =	simm.s32 @p2 $0x1  }
0x17: {  	s4 =	simm.s32 $0x1BF5;
	[smem:$0x3FBB] =	sst s0  }
0x18: {  	s0 =	sld [smem:$0x3F9E];
	_ =	swait.ge [sflag:s4], $0x0  }
0x19: {  	s7 =	sld [smem:$0x3F9F]  }
0x1a: {  	s8 =	sadd.s32 $0xFFFFE003, lr  }
0x1b: {  	s9 =	sadd.s32 $0xFFFFFEF7, lr;
	s5 =	simm.s32 $0xFFFFFFFF;
	p2 =	slt.u32 s8, $0xFFFFF086  }
0x1c: {  	p1 =	slt.u32 s9, $0xF7A;
	s5 =	simm.s32 @!p2 $0x0  }
0x1d: {  	s5 =	simm.s32 @p1 $0x1;
	p0 =	seq.s32 s7, s2  }
0x1e: {  	s7 =	smul.u32 @!p0 $0xF7A, s2;
	p2 =	seq.s32 @!p0 s5, $0x0  }
0x1f: {  	s9 =	smul.u32 $0xF7A, s1;
	s8 =	simm.s32 @!p0 $0x1BF5;
	p2 =	por !p2, p0  }
0x20: {  	[sflag:s8] =	ssyncset.s32 @!p0 $0xFFFFF086;
	s6 =	sadd.s32 @!p0 s3, s7;
	s7 =	simm.s32 @!p0 $0x108  }
0x21: {  	s3 =	sadd.s32 s3, s9;
	s6 =	sadd.s32 @!p0 $0x88, s6;
	s7 =	simm.s32 @p2 $0x1082  }
0x22: {  	[simem:s7], [sflag:s8] =	dma.local @!p0 [hbm:s6], $0xF7A  }
0x23: {  	s9 =	sor.u32 $0xD0000000, s2;
	s6 =	simm.s32 $0x108;
	_ =	swait.ge @!p0 [sflag:s8], $0x0  }
0x24: {  	s3 =	sadd.s32 $0x88, s3;
	s6 =	simm.s32 @!p1 $0x1082;
	[sflag:s4] =	ssyncset.s32 $0xFFFFF086  }
0x25: {  	[simem:s6], [sflag:s4] =	dma.local [hbm:s3], $0xF7A  }
0x26: {  	[smem:$0x3F9F] =	sst s1;
	(tag) =	ssettag s2;
	_ =	strace s9  }
0x27: {  	s1 =	sld [smem:$0x3FAF]  }
0x28: {  	s2 =	sld [smem:$0x3FB0]  }
0x29: {  	s4 =	sld [smem:$0x3FB2]  }
0x2a: {  	p0 =	seq.s32 s5, $0x0;
	s5 =	sld [smem:$0x3FB3]  }
0x2b: {  	s6 =	sld [smem:$0x3FB4]  }
0x2c: {  	s7 =	sld [smem:$0x3FB5]  }
0x2d: {  	s3 =	simm.s32 $0x108;
	s8 =	sld [smem:$0x3FB6]  }
0x2e: {  	s3 =	simm.s32 @!p0 $0x1082;
	s9 =	sld [smem:$0x3FB7]  }
0x2f: {  	lr =	sadd.s32 s0, s3;
	s0 =	sld [smem:$0x3FAE]  }
0x30: {  	s3 =	sld [smem:$0x3FB1]  }
0x31: {  	[smem:$0x3FBA] =	sst s10  }
0x32: {  	s10 =	sld [smem:$0x3FB8];
	_ =	sdelay $0x3  }
0x33: {  	p0 =	seq.s32 s10, $0x1;
	s10 =	sld [smem:$0x3FBA];
	_ =	sdelay $0x3  }
0x34: {  	[smem:$0x3FBA] =	sst s10  }
0x35: {  	s10 =	sld [smem:$0x3FB9];
	_ =	sdelay $0x3  }
0x36: {  	p1 =	seq.s32 s10, $0x1;
	s10 =	sld [smem:$0x3FBA];
	_ =	sdelay $0x3  }
0x37: {  	[smem:$0x3FBA] =	sst s10  }
0x38: {  	s10 =	sld [smem:$0x3FBB]  }
0x39: {  	_ = 	snop;
	(pc) =	sbr.ind lr, $3  }
0x3a: {  	_ = 	snop  }
0x3b: {  	_ = 	snop  }
0x3c: {  	p2 =	seq.s32 s10, $0x1;
	s10 =	sld [smem:$0x3FBA]  }
0x3d: {  	_ =	shalt  }
0x3e: {  	_ =	shalt  }
0x3f: {  	_ =	shalt  }
0x40: {  	_ =	shalt  }
0x41: {  	_ =	shalt  }
0x42: {  	_ =	shalt  }
0x43: {  	_ =	shalt  }
0x44: {  	_ =	shalt  }
0x45: {  	_ =	shalt  }
0x46: {  	_ =	shalt  }
0x47: {  	_ =	shalt  }
0x48: {  	_ =	shalt  }
0x49: {  	_ =	shalt  }
0x4a: {  	_ =	shalt  }
0x4b: {  	_ =	shalt  }
0x4c: {  	_ =	shalt  }
0x4d: {  	_ =	shalt  }
0x4e: {  	_ =	shalt  }
0x4f: {  	_ =	shalt  }
0x50: {  	_ =	shalt  }
0x51: {  	_ =	shalt  }
0x52: {  	_ =	shalt  }
0x53: {  	_ =	shalt  }
0x54: {  	_ =	shalt  }
0x55: {  	_ =	shalt  }
0x56: {  	_ =	shalt  }
0x57: {  	_ =	shalt  }
0x58: {  	_ =	shalt  }
0x59: {  	_ =	shalt  }
0x5a: {  	_ =	shalt  }
0x5b: {  	_ =	shalt  }
0x5c: {  	_ =	shalt  }
0x5d: {  	_ =	shalt  }
0x5e: {  	_ =	shalt  }
0x5f: {  	_ =	shalt  }
0x60: {  	_ =	shalt  }
0x61: {  	_ =	shalt  }
0x62: {  	_ =	shalt  }
0x63: {  	_ =	shalt  }
0x64: {  	_ =	shalt  }
0x65: {  	_ =	shalt  }
0x66: {  	_ =	shalt  }
0x67: {  	_ =	shalt  }
0x68: {  	_ =	shalt  }
0x69: {  	_ =	shalt  }
0x6a: {  	_ =	shalt  }
0x6b: {  	_ =	shalt  }
0x6c: {  	_ =	shalt  }
0x6d: {  	_ =	shalt  }
0x6e: {  	_ =	shalt  }
0x6f: {  	_ =	shalt  }
0x70: {  	_ =	shalt  }
0x71: {  	_ =	shalt  }
0x72: {  	_ =	shalt  }
0x73: {  	_ =	shalt  }
0x74: {  	_ =	shalt  }
0x75: {  	_ =	shalt  }
0x76: {  	_ =	shalt  }
0x77: {  	_ =	shalt  }
0x78: {  	_ =	shalt  }
0x79: {  	_ =	shalt  }
0x7a: {  	_ =	shalt  }
0x7b: {  	_ =	shalt  }
0x7c: {  	_ =	shalt  }
0x7d: {  	_ =	shalt  }
0x7e: {  	_ =	shalt  }
0x7f: {  	_ =	shalt  }
0x80: {  	_ =	shalt  }
0x81: {  	_ =	shalt  }
0x82: {  	_ =	shalt  }
0x83: {  	_ =	shalt  }
0x84: {  	_ =	shalt  }
0x85: {  	_ =	shalt  }
0x86: {  	_ =	shalt  }
0x87: {  	_ =	shalt  }
.Lfunc_end0:
.L_simem_size_0:
called_computation.1_lowered:
.L_overlay_start_0:
0x88: {  	s2 =	sld [smem:$0x3FD9]  }
0x89: {  	s3 =	sld [smem:$0x3FFE];
	_ =	sdelay $0x1  }
0x8a: {  	s1 =	srdreg.scid  }
0x8b: {  	s0 =	sand.u32 $0x1, s1  }
0x8c: {  	s17 =	sshll.u32 s0, $0xA;
	s2 =	sadd.s32 s3, s2  }
0x8d: {  	s2 =	sadd.s32 s2, s17  }
0x8e: {  	[smem:$0x3FC6] =	sst s2  }
0x8f: {  	_ = 	snop  }
0x90: {  	s2 =	sld [smem:$0x3FD0];
	(tm) =	ssettm $0x1  }
0x91: {  	s18 =	sld [smem:$0x3FFB];
	_ =	sdelay $0x3  }
0x92: {  	_ =	strace s18  }
0x93: {  	s3 =	sld [smem:$0x3FFC];
	_ =	sdelay $0x3  }
0x94: {  	_ =	strace s3  }
0x95: {  	s3 =	sld [smem:$0x3FFD];
	_ =	sdelay $0x3  }
0x96: {  	_ =	strace s3  }
0x97: {  	_ =	strace $0x8FFFFFFF  }
0x98: {  	s19 =	sld [smem:$0x3FDB];
	_ =	sdelay $0x1  }
0x99: {  	s4 =	simm.s32 $_scs_section_size  }
0x9a: {  	s5 =	simm.s32 $_size__tile_overlayer_lowered;
	s6 =	simm.s32 $_tile_overlayer_lowered  }
0x9b: {  	s22 =	simm.s32 $0x1BFF;
	s21 =	sshll.u32 s6, $0x1;
	s3 =	sadd.s32 s4, s19  }
0x9c: {  	s7 =	simm.s32 $0x0;
	s20 =	sshll.u32 s5, $0x1;
	s5 =	sadd.s32 s21, s3  }
0x9d: {  	[timem:s7], [sflag:s22] =	dma.local [hbm:s5], s20  }
0x9e: {  	_ =	swait.ge [sflag:s22], s20  }
0x9f: {  	s4 =	ssub.s32 $0x0, s20;
	[sflag:s22] =	ssyncset.done $0x0  }
0xa0: {  	[sflag:s22] =	ssyncadd.s32 s4;
	_ =	sdelay $0x1  }
0xa1: {  	s23 =	simm.s32 $0x1B8B  }
0xa2: {  	_ =	swait.ge [sflag:s23], $0x1  }
0xa3: {  	[sflag:s23] =	ssyncset.done $0x0  }
0xa4: {  	s25 =	simm.s32 $0x1B8E;
	s24 =	sld [smem:$0x3FFE];
	[sflag:s23] =	ssyncadd.s32 $0xFFFFFFFF  }
0xa5: {  	s26 =	simm.s32 $execute0_lowered;
	[smem:$0x3FD2] =	sst s25  }
0xa6: {  	s5 =	sshll.u32 s26, $0x1;
	_ =	strace $0x80000046;
	[dreg:$0x1] =	wrdreg $0xFFFFFFFF  }
0xa7: {  	s28 =	simm.s32 $_size_execute0_lowered;
	s3 =	sadd.s32 s3, s5;
	[dreg:$0x0] =	wrdreg $0x0  }
0xa8: {  	s5 =	sshll.u32 s28, $0x1;
	[dreg:$0x2] =	wrdreg s3  }
0xa9: {  	[dreg:$0x3] =	wrdreg s5  }
0xaa: {  	[dreg:$0x4] =	wrdreg $0xC0  }
0xab: {  	_ =	task [dreg:s7], $0x5FFFF  }
0xac: {  	[dreg:$0x1] =	wrdreg $0xFFFFFFFF  }
0xad: {  	[dreg:$0x0] =	wrdreg $0x60  }
0xae: {  	[dreg:$0x2] =	wrdreg s24  }
0xaf: {  	[dreg:$0x3] =	wrdreg s2  }
0xb0: {  	[dreg:$0x4] =	wrdreg $0x9  }
0xb1: {  	_ =	task.clear_ibuf [dreg:s7], $0x5FFFF;
	_ =	strace $0x90000046  }
0xb2: {  	s29 =	simm.s32 $0x9;
	_ =	strace $0x80000048  }
0xb3: {  	_ =	swait.ge [sflag:s29], $0x1  }
0xb4: {  	[sflag:s29] =	ssyncadd.s32 $0xFFFFFFFF  }
0xb5: {  	_ =	strace $0x90000048  }
0xb6: {  	_ =	sfence  }
0xb7: {  	s30 =	sld [smem:$0x0];
	_ =	sdelay $0x2  }
0xb8: {  	s31 =	sshll.u32 s1, $0xD;
	s1 =	sshrl.u32 s1, $0x2  }
0xb9: {  	s3 =	sand.u32 $0x4000, s31;
	s1 =	sadd.s32 s1, s30  }
0xba: {  	s0 =	sor.u32 s3, s0;
	s1 =	sshll.u32 s1, $0x11  }
0xbb: {  	s0 =	sor.u32 s1, s0  }
0xbc: {  	s0 =	sadd.s32 $0x8F2B, s0  }
0xbd: {  	[sflag:s0] =	ssyncadd.remote.s32 $0x1  }
0xbe: {  	_ =	sfence.sel $0xFFFF  }
0xbf: {  	[dreg:$0x0] =	wrdreg $0xFFFFFFFF;
	(pc) =	sbr.abs _section_cstart, $3  }
0xc0: {  	[dreg:$0x1] =	wrdreg $0xFFFFFFFF  }
0xc1: {  	_ =	task.clear_ibuf [dreg:s7], $0x2FFFF;
	_ =	strace $0x9FFFFFFF  }
0xc2: {  	(tm) =	ssettm $0x7FFFFFFF  }
0xc3: {  	_ =	shalt  }
tec
execute0_lowered:
.L_overlay_start_1:
0x0: {  	(tag) =	ssettag $0x1  }
0x1: {  	s0 =	rddreg [dreg:$0x0]  }
0x2: {  	s1 =	rddreg [dreg:$0x1];
	s3 =	srdreg.scid  }
0x3: {  	s10 =	stileid.u32;
	s2 =	simm.s32 $0x0;
	s11 =	simm.s32 $0x1  }
0x4: {  	s12 =	simm.s32 $0x80;
	s13 =	simm.s32 $0x500;
	s14 =	simm.s32 $0x2500  }
0x5: {  	s15 =	simm.s32 $0x100;
	s16 =	simm.s32 $0x4500;
	s17 =	simm.s32 $0x180  }
0x6: {  	s28 =	simm.s32 $0xE500;
	s29 =	simm.s32 $0x400;
	s7 =	smul.u32 $0x190, s10  }
0x7: {  	s30 =	simm.s32 $0x10500;
	s31 =	simm.s32 $0x480;
	s20 =	smul.u32 $0x1900, s10  }
0x8: {  	s4 =	sand.u32 $0x1, s3;
	s18 =	sshll.u32 s10, $0x1;
	s23 =	smul.u32 $0x64000, s10  }
0x9: {  	[smem:$0x7FF] =	sst s2;
	s10 =	simm.s32 $0x280;
	s9 =	smul.u32 $0xC8, s4  }
0xa: {  	s3 =	sor.u32 s4, s18;
	_ =	strace $0x80000047;
	s21 =	smul.u32 $0xC80, s4  }
0xb: {  	s6 =	ssub.s32 $0x2, s4;
	s4 =	smul.u32 $0x32000, s4;
	s18 =	simm.s32 $0x6500  }
0xc: {  	s5 =	smul.u32 $0xC80, s3;
	s3 =	sadd.s32 $0xF42E00, s0;
	s0 =	sadd.s32 $0xA00, s0  }
0xd: {  	s8 =	sshrl.u32 s6, $0x1;
	s26 =	sadd.s32 s23, s1;
	s23 =	simm.s32 $0xA500  }
0xe: {  	s6 =	ssub.s32 s6, s8;
	s7 =	sadd.s32 s9, s7;
	s19 =	sadd.s32 s0, s5  }
0xf: {  	s6 =	smax.u32 s6, $0x1;
	s22 =	sshll.u32 s7, $0xA;
	s0 =	sadd.s32 s20, s0  }
0x10: {  	s20 =	simm.s32 $0x8500;
	[dreg:$0x3] =	wrdreg s19;
	s8 =	sadd.s32 $0x50, s19  }
0x11: {  	[dreg:$0x5] =	wrdreg s6;
	s24 =	sadd.s32 s22, s1;
	s7 =	sadd.s32 s21, s0  }
.Ltmp0:
0x12: {  	s0 =	sadd.s32 s4, s26;
	s19 =	simm.s32 $0x200;
	(pc) =	sbr.rel .LBB2_1-.Ltmp0, $4  }
0x13: {  	s21 =	simm.s32 $0x3;
	s22 =	simm.s32 $0x2;
	s26 =	simm.s32 $0x380  }
0x14: {  	s1 =	simm.s32 $0x4;
	s6 =	simm.s32 $0x0;
	[dreg:$0x4] =	wrdreg s8  }
0x15: {  	s25 =	sadd.s32 $0x1400, s24;
	[dreg:$0x7] =	wrdreg s0;
	s24 =	simm.s32 $0x300  }
0x16: {  	s0 =	simm.s32 $0x12500;
	[dreg:$0x6] =	wrdreg s25;
	s25 =	simm.s32 $0xC500  }
.LBB2_4:
0x17: {  	s4 =	simm.s32 $0x5  }
0x18: {  	_ =	swait.ge [sflag:s4], $0xA000  }
0x19: {  	[sflag:s4] =	ssyncset.done $0x0  }
0x1a: {  	s5 =	simm.s32 $0x6;
	[sflag:s4] =	ssyncadd.s32 $0xFFFF6000  }
0x1b: {  	_ =	swait.ge [sflag:s5], $0xA000  }
0x1c: {  	s6 =	rddreg [dreg:$0x8]  }
0x1d: {  	s9 =	rddreg [dreg:$0x5];
	s6 =	sadd.s32 $0x1, s6  }
0x1e: {  	p0 =	sne.s32 s6, s9  }
.Ltmp1:
0x1f: {  	_ = 	snop;
	(pc) =	sbr.rel @!p0 .LBB2_5-.Ltmp1, $3  }
0x20: {  	_ =	sdelay $0x1  }
0x21: {  	[sflag:s5] =	ssyncset.done $0x0  }
0x22: {  	[sflag:s5] =	ssyncadd.s32 $0xFFFF6000  }
.LBB2_1:
0x23: {  	[dreg:$0x8] =	wrdreg s6  }
0x24: {  	s4 =	rddreg [dreg:$0x3]  }
0x25: {  	s9 =	rddreg [dreg:$0x4]  }
0x26: {  	[tilespmem:s2], [sflag:$0x1] =	stream.linear.gather [hbm4b:s4+s2], $0x280, $0x38;
	[tilespmem:$0x14500] =	vst v63  }
0x27: {  	s8 =	rddreg [dreg:$0x6]  }
0x28: {  	[tilespmem:s10], [sflag:$0x2] =	stream.linear.gather [hbm4b:s9+s2], $0x280, $0x38;
	[tilespmem:$0x14500] =	vst v63  }
0x29: {  	s5 =	simm.s32 $0x0;
	s9 =	rddreg [dreg:$0x7]  }
.LBB2_2:
0x2a: {  	_ =	swait.ge [sflag:s11], $0x280  }
0x2b: {  	p0 =	seq.s32 s5, $0x0;
	[sflag:s11] =	ssyncset.done $0x0  }
0x2c: {  	s4 =	simm.s32 @!p0 $0x5;
	[sflag:s11] =	ssyncadd.s32 $0xFFFFFD80  }
0x2d: {  	_ =	swait.ge @!p0 [sflag:s4], $0xA000  }
0x2e: {  	[sflag:s4] =	ssyncset.done @!p0 $0x0  }
0x2f: {  	[sflag:s4] =	ssyncadd.s32 @!p0 $0xFFFF6000  }
0x30: {  	[tilespmem:s13], [sflag:$0x3] =	stream.indirect.gather [hbm4b:s3+s12], $0x40, s2, s12, $0xb8;
	[tilespmem:$0x14500] =	vst v63  }
0x31: {  	_ = 	snop  }
0x32: {  	[tilespmem:s14], [sflag:$0x3] =	stream.indirect.gather [hbm4b:s3+s12], $0x40, s12, s12, $0xb8;
	[tilespmem:$0x14500] =	vst v63  }
0x33: {  	_ = 	snop  }
0x34: {  	[tilespmem:s16], [sflag:$0x3] =	stream.indirect.gather [hbm4b:s3+s12], $0x40, s15, s12, $0xb8;
	[tilespmem:$0x14500] =	vst v63  }
0x35: {  	_ = 	snop  }
0x36: {  	[tilespmem:s18], [sflag:$0x3] =	stream.indirect.gather [hbm4b:s3+s12], $0x40, s17, s12, $0xb8;
	[tilespmem:$0x14500] =	vst v63  }
0x37: {  	_ = 	snop  }
0x38: {  	[tilespmem:s20], [sflag:$0x3] =	stream.indirect.gather [hbm4b:s3+s12], $0x40, s19, s12, $0xb8;
	[tilespmem:$0x14500] =	vst v63  }
0x39: {  	_ =	swait.ge [sflag:s21], $0x2000  }
0x3a: {  	[sflag:s21] =	ssyncset.done $0x0  }
0x3b: {  	[sflag:s21] =	ssyncadd.s32 $0xFFFFE000  }
0x3c: {  	_ =	swait.ge [sflag:s21], $0x2000  }
0x3d: {  	[sflag:s21] =	ssyncset.done $0x0  }
0x3e: {  	[sflag:s21] =	ssyncadd.s32 $0xFFFFE000  }
0x3f: {  	_ =	swait.ge [sflag:s21], $0x2000  }
0x40: {  	[sflag:s21] =	ssyncset.done $0x0  }
0x41: {  	[sflag:s21] =	ssyncadd.s32 $0xFFFFE000  }
0x42: {  	_ =	swait.ge [sflag:s21], $0x2000  }
0x43: {  	[sflag:s21] =	ssyncset.done $0x0  }
0x44: {  	[sflag:s21] =	ssyncadd.s32 $0xFFFFE000  }
0x45: {  	_ =	swait.ge [sflag:s21], $0x2000  }
0x46: {  	p1 =	seq.s32 s5, $0xBE0;
	[sflag:s21] =	ssyncset.done $0x0  }
0x47: {  	s4 =	sadd.s32 @!p1 s5, s7;
	[sflag:s21] =	ssyncadd.s32 $0xFFFFE000  }
0x48: {  	[hbm4b:s9+s2] =	stream.linear.scatter [tilespmem:s13], [sflag:$0x5], $0xA000, $0x38;
	[tilespmem:$0x14500] =	vst v63  }
0x49: {  	s6 =	simm.s32 @!p1 $0x0;
	s4 =	sadd.s32 @!p1 $0xA0, s4  }
0x4a: {  	[tilespmem:s6], [sflag:$0x1] =	stream.linear.gather @!p1 [hbm4b:s4+s6], $0x280, $0x38;
	[tilespmem:$0x14500] =	vst v63  }
0x4b: {  	_ =	swait.ge [sflag:s22], $0x280  }
0x4c: {  	[sflag:s22] =	ssyncset.done $0x0  }
0x4d: {  	s4 =	simm.s32 @!p0 $0x6;
	[sflag:s22] =	ssyncadd.s32 $0xFFFFFD80  }
0x4e: {  	_ =	swait.ge @!p0 [sflag:s4], $0xA000  }
0x4f: {  	[sflag:s4] =	ssyncset.done @!p0 $0x0  }
0x50: {  	[sflag:s4] =	ssyncadd.s32 @!p0 $0xFFFF6000  }
0x51: {  	[tilespmem:s23], [sflag:$0x4] =	stream.indirect.gather [hbm4b:s3+s12], $0x40, s10, s12, $0xb8;
	[tilespmem:$0x14500] =	vst v63  }
0x52: {  	_ = 	snop  }
0x53: {  	[tilespmem:s25], [sflag:$0x4] =	stream.indirect.gather [hbm4b:s3+s12], $0x40, s24, s12, $0xb8;
	[tilespmem:$0x14500] =	vst v63  }
0x54: {  	_ = 	snop  }
0x55: {  	[tilespmem:s28], [sflag:$0x4] =	stream.indirect.gather [hbm4b:s3+s12], $0x40, s26, s12, $0xb8;
	[tilespmem:$0x14500] =	vst v63  }
0x56: {  	_ = 	snop  }
0x57: {  	[tilespmem:s30], [sflag:$0x4] =	stream.indirect.gather [hbm4b:s3+s12], $0x40, s29, s12, $0xb8;
	[tilespmem:$0x14500] =	vst v63  }
0x58: {  	_ = 	snop  }
0x59: {  	[tilespmem:s0], [sflag:$0x4] =	stream.indirect.gather [hbm4b:s3+s12], $0x40, s31, s12, $0xb8;
	[tilespmem:$0x14500] =	vst v63  }
0x5a: {  	_ =	swait.ge [sflag:s1], $0x2000  }
0x5b: {  	[sflag:s1] =	ssyncset.done $0x0  }
0x5c: {  	[sflag:s1] =	ssyncadd.s32 $0xFFFFE000  }
0x5d: {  	_ =	swait.ge [sflag:s1], $0x2000  }
0x5e: {  	[sflag:s1] =	ssyncset.done $0x0  }
0x5f: {  	[sflag:s1] =	ssyncadd.s32 $0xFFFFE000  }
0x60: {  	_ =	swait.ge [sflag:s1], $0x2000  }
0x61: {  	[sflag:s1] =	ssyncset.done $0x0  }
0x62: {  	[sflag:s1] =	ssyncadd.s32 $0xFFFFE000  }
0x63: {  	_ =	swait.ge [sflag:s1], $0x2000  }
0x64: {  	[sflag:s1] =	ssyncset.done $0x0  }
.Ltmp2:
0x65: {  	[sflag:s1] =	ssyncadd.s32 $0xFFFFE000;
	(pc) =	sbr.rel @p1 .LBB2_4-.Ltmp2, $4  }
0x66: {  	_ =	swait.ge [sflag:s1], $0x2000  }
0x67: {  	[sflag:s1] =	ssyncset.done $0x0  }
0x68: {  	[sflag:s1] =	ssyncadd.s32 $0xFFFFE000  }
0x69: {  	[hbm4b:s8+s2] =	stream.linear.scatter [tilespmem:s23], [sflag:$0x6], $0xA000, $0x38;
	[tilespmem:$0x14500] =	vst v63  }
.Ltmp3:
0x6a: {  	(pc) =	sbr.rel .LBB2_2-.Ltmp3, $4  }
0x6b: {  	_ = 	snop  }
0x6c: {  	s4 =	sadd.s32 s5, s7;
	s5 =	sadd.s32 $0xA0, s5  }
0x6d: {  	s8 =	sadd.s32 $0x2800, s8;
	s9 =	sadd.s32 $0x2800, s9;
	s4 =	sadd.s32 $0xF0, s4  }
0x6e: {  	[tilespmem:s10], [sflag:$0x2] =	stream.linear.gather [hbm4b:s4+s2], $0x280, $0x38;
	[tilespmem:$0x14500] =	vst v63  }
.LBB2_5:
0x6f: {  	_ =	sfence.sel $0x180000  }
0x70: {  	[bflag:$0x0] =	sbarrier.arrive $0xFFFF  }
0x71: {  	_ =	strace $0x90000047  }
0x72: {  	s0 =	stileid.u32;
	[bflag:$0x2] =	sbarrier.arrive $0xFFFF  }
0x73: {  	p0 =	sne.s32 s0, $0x0;
	s0 =	rddreg [dreg:$0x2]  }
0x74: {  	s0 =	sadd.s32 @!p0 $0x100000, s0  }
0x75: {  	[sflag:s0] =	ssyncadd.tile.s32 @!p0 $0x1;
	_ =	shalt  }
.Lfunc_end2:
_tile_overlayer_lowered:
.L_overlay_start_2:
0x76: {  	(tag) =	ssettag $0x2  }
0x77: {  	s0 =	rddreg [dreg:$0x0];
	s2 =	stileid.u32  }
0x78: {  	s1 =	rddreg [dreg:$0x1];
	p0 =	sne.s32 s2, $0x0  }
0x79: {  	s3 =	rddreg [dreg:$0x2];
	[bflag:$0x3] =	sbarrier.arrive $0xFFFF;
	s2 =	simm.s32 @!p0 $0x1C07  }
0x7a: {  	[timem:s3], [sflag:s2] =	dma.local @!p0 [hbm:s0], s1  }
0x7b: {  	s0 =	simm.s32 @!p0 $0x7  }
0x7c: {  	_ =	swait.ge @!p0 [sflag:s0], s1  }
0x7d: {  	s1 =	ssub.s32 @!p0 $0x0, s1;
	[sflag:s0] =	ssyncset.done @!p0 $0x0  }
0x7e: {  	[sflag:s0] =	ssyncadd.s32 @!p0 s1  }
0x7f: {  	[bflag:$0x3] =	sbarrier.arrive $0xFFFF  }
0x80: {  	_ =	shalt  }

// kernel: sparse-core-data-format-call.cloned.1.call-start
scs
called_computation_lowered:
.L_overlay_start_0:
0x0: {  	s2 =	sld [smem:$0x3FD9]  }
0x1: {  	s3 =	sld [smem:$0x3FFE];
	_ =	sdelay $0x1  }
0x2: {  	s1 =	srdreg.scid  }
0x3: {  	s0 =	sand.u32 $0x1, s1  }
0x4: {  	s18 =	sshll.u32 s0, $0xA;
	s2 =	sadd.s32 s3, s2  }
0x5: {  	s2 =	sadd.s32 s2, s18  }
0x6: {  	[smem:$0x3FC6] =	sst s2  }
0x7: {  	_ = 	snop  }
0x8: {  	s2 =	sld [smem:$0x3FD0];
	(tm) =	ssettm $0x1  }
0x9: {  	s19 =	sld [smem:$0x3FFB];
	_ =	sdelay $0x3  }
0xa: {  	_ =	strace s19  }
0xb: {  	s3 =	sld [smem:$0x3FFC];
	_ =	sdelay $0x3  }
0xc: {  	_ =	strace s3  }
0xd: {  	s3 =	sld [smem:$0x3FFD];
	_ =	sdelay $0x3  }
0xe: {  	_ =	strace s3  }
0xf: {  	_ =	strace $0x8FFFFFFF  }
0x10: {  	s20 =	sld [smem:$0x3FDB];
	_ =	sdelay $0x1  }
0x11: {  	s4 =	simm.s32 $_scs_section_size  }
0x12: {  	s5 =	simm.s32 $_size__tile_overlayer_lowered;
	s6 =	simm.s32 $_tile_overlayer_lowered  }
0x13: {  	s23 =	simm.s32 $0x1BFF;
	s22 =	sshll.u32 s6, $0x1;
	s3 =	sadd.s32 s4, s20  }
0x14: {  	s7 =	simm.s32 $0x0;
	s21 =	sshll.u32 s5, $0x1;
	s5 =	sadd.s32 s22, s3  }
0x15: {  	[timem:s7], [sflag:s23] =	dma.local [hbm:s5], s21  }
0x16: {  	_ =	swait.ge [sflag:s23], s21  }
0x17: {  	s4 =	ssub.s32 $0x0, s21;
	[sflag:s23] =	ssyncset.done $0x0  }
0x18: {  	[sflag:s23] =	ssyncadd.s32 s4;
	_ =	sdelay $0x1  }
0x19: {  	s24 =	simm.s32 $0x1B8B  }
0x1a: {  	_ =	swait.ge [sflag:s24], $0x1  }
0x1b: {  	[sflag:s24] =	ssyncset.done $0x0  }
0x1c: {  	s26 =	simm.s32 $0x1B8E;
	s25 =	sld [smem:$0x3FFE];
	[sflag:s24] =	ssyncadd.s32 $0xFFFFFFFF  }
0x1d: {  	s27 =	simm.s32 $execute0_lowered;
	[smem:$0x3FD2] =	sst s26  }
0x1e: {  	s5 =	sshll.u32 s27, $0x1;
	_ =	strace $0x80000049;
	[dreg:$0x1] =	wrdreg $0xFFFFFFFF  }
0x1f: {  	s28 =	simm.s32 $_size_execute0_lowered;
	s3 =	sadd.s32 s3, s5;
	[dreg:$0x0] =	wrdreg $0x0  }
0x20: {  	s5 =	sshll.u32 s28, $0x1;
	[dreg:$0x2] =	wrdreg s3  }
0x21: {  	[dreg:$0x3] =	wrdreg s5  }
0x22: {  	[dreg:$0x4] =	wrdreg $0xC0  }
0x23: {  	_ =	task [dreg:s7], $0x5FFFF  }
0x24: {  	[dreg:$0x1] =	wrdreg $0xFFFFFFFF  }
0x25: {  	[dreg:$0x0] =	wrdreg $0x60  }
0x26: {  	[dreg:$0x2] =	wrdreg s25  }
0x27: {  	[dreg:$0x3] =	wrdreg s2  }
0x28: {  	[dreg:$0x4] =	wrdreg $0x9  }
0x29: {  	_ =	task.clear_ibuf [dreg:s7], $0x5FFFF;
	_ =	strace $0x90000049  }
0x2a: {  	s29 =	simm.s32 $0x9;
	_ =	strace $0x8000004B  }
0x2b: {  	_ =	swait.ge [sflag:s29], $0x1  }
0x2c: {  	[sflag:s29] =	ssyncadd.s32 $0xFFFFFFFF  }
0x2d: {  	_ =	strace $0x9000004B  }
0x2e: {  	_ =	sfence  }
0x2f: {  	s30 =	sld [smem:$0x0];
	_ =	sdelay $0x2  }
0x30: {  	s31 =	sshll.u32 s1, $0xD;
	s1 =	sshrl.u32 s1, $0x2  }
0x31: {  	s3 =	sand.u32 $0x4000, s31;
	s1 =	sadd.s32 s1, s30  }
0x32: {  	s0 =	sor.u32 s3, s0;
	s1 =	sshll.u32 s1, $0x11  }
0x33: {  	s0 =	sor.u32 s1, s0  }
0x34: {  	s0 =	sadd.s32 $0x8F2B, s0  }
0x35: {  	[sflag:s0] =	ssyncadd.remote.s32 $0x1  }
0x36: {  	_ =	sfence.sel $0xFFFF  }
0x37: {  	[dreg:$0x0] =	wrdreg $0xFFFFFFFF;
	(pc) =	sbr.abs _section_cstart, $3  }
0x38: {  	[dreg:$0x1] =	wrdreg $0xFFFFFFFF  }
0x39: {  	_ =	task.clear_ibuf [dreg:s7], $0x2FFFF;
	_ =	strace $0x9FFFFFFF  }
0x3a: {  	(tm) =	ssettm $0x7FFFFFFF  }
0x3b: {  	_ =	shalt  }
tec
execute0_lowered:
.L_overlay_start_1:
0x0: {  	(tag) =	ssettag $0x1  }
0x1: {  	s0 =	srdreg.scid  }
0x2: {  	s1 =	sshll.u32 s0, $0x4  }
0x3: {  	s0 =	stileid.u32;
	s1 =	sand.u32 $0x10, s1  }
0x4: {  	s1 =	sor.u32 s0, s1  }
0x5: {  	s6 =	rddreg [dreg:$0x0];
	s4 =	simm.s32 $0x1;
	s2 =	sshll.u32 s1, $0x7  }
0x6: {  	s7 =	simm.s32 $0x2;
	s12 =	simm.s32 $0x0;
	s1 =	ssub.s32 $0x4000, s2  }
0x7: {  	s8 =	simm.s32 $0x20000;
	s13 =	simm.s32 $0x0;
	s3 =	sand.u32 $0xF80, s1  }
0x8: {  	s9 =	simm.s32 $0x0;
	s5 =	sshrl.u32 s1, $0xC;
	p0 =	sne.s32 s3, $0x0  }
.Ltmp0:
0x9: {  	s1 =	rddreg [dreg:$0x2];
	s4 =	simm.s32 @!p0 $0x0;
	(pc) =	sbr.rel .LBB1_1-.Ltmp0, $4  }
0xa: {  	s11 =	simm.s32 $0x0;
	s3 =	rddreg [dreg:$0x1];
	s5 =	sadd.s32 s4, s5  }
0xb: {  	_ =	strace $0x8000004A;
	s4 =	simm.s32 $0x1;
	s5 =	smul.u32 $0x32, s5  }
0xc: {  	s6 =	sadd.s32 $0xA00, s6;
	s10 =	smov.u32 s2;
	[sflag:s4] =	ssyncpa.u1 $0x0  }
0xd: {  	p0 =	por $0x0, $0x0;
	[sflag:s7] =	ssyncpa.u1 $0x0;
	s7 =	sor.u32 $0x1, s5  }
.LBB1_4:
0xe: {  	s16 =	sshll.u32 s13, $0x3;
	s17 =	sand.u32 $0x78, s13  }
0xf: {  	s30 =	sand.u32 $0x1F800, s13;
	s12 =	sshll.u32 s12, $0x11;
	s16 =	sand.u32 $0x3C00, s16  }
0x10: {  	[tilespmem:s15+$0x810 ss:$0x81] =	vst.msk $0xffff, v2;
	s31 =	sand.u32 $0x7, s13;
	s16 =	sor.u32 s17, s16;
	s17 =	sadd.s32 s3, s30  }
0x11: {  	[tilespmem:s15+$0x1020 ss:$0x81] =	vst.msk $0xffff, v0;
	s13 =	sshll.u32 s31, $0x12;
	s12 =	sadd.s32 s12, s17;
	s16 =	sshrl.u32 s16, $0x3  }
0x12: {  	[tilespmem:s15+$0x0 ss:$0x81] =	vst.msk $0xffff, v1;
	s13 =	sor.u32 $0x400, s13;
	s12 =	sadd.s32 s16, s12  }
0x13: {  	[hbm4b:s12+s13] =	stream.strided.scatter [tilespmem:s14], [sflag:$0x2], $0x2000, s8, s13, $0x20;
	[tilespmem:$0x8080] =	vst v63  }
.LBB1_5:
0x14: {  	s14 =	sadd.s32 $0x1, s9  }
0x15: {  	s12 =	sadd.s32 $0x1000, s10;
	s16 =	smov.u32 s10;
	p2 =	sgt.s32 s14, $0x31  }
0x16: {  	s16 =	smov.u32 @p2 s12  }
0x17: {  	s14 =	simm.s32 @p2 $0x0;
	p2 =	sgt.s32 s16, $0x3FFF  }
0x18: {  	s16 =	smov.u32 @p2 s2;
	p2 =	sne.s32 s11, s7  }
.Ltmp1:
0x19: {  	p1 =	slt.u32 s11, $0x2;
	(pc) =	sbr.rel @!p2 .LBB1_6-.Ltmp1, $4  }
0x1a: {  	s15 =	simm.s32 @!p1 $0x2  }
0x1b: {  	s13 =	smov.u32 s10;
	p0 =	por !p0, !p0;
	_ =	swait.ge @!p1 [sflag:s15], $0x2000  }
0x1c: {  	s12 =	smov.u32 s9;
	[sflag:s15] =	ssyncset.done @!p1 $0x0;
	s9 =	smov.u32 s14  }
0x1d: {  	s11 =	sadd.s32 $0x1, s11;
	[sflag:s15] =	ssyncadd.s32 @!p1 $0xFFFFE000;
	s10 =	smov.u32 s16  }
.LBB1_1:
0x1e: {  	p1 =	sge.u32 s11, s5  }
0x1f: {  	s14 =	sand.u32 @!p1 $0x1FFFFFF, s9  }
0x20: {  	s15 =	smulhi.u32 @!p1 $0x4924925, s14;
	_ =	sdelay $0x1  }
0x21: {  	s15 =	smul.u32 @!p1 $0x38, s15  }
0x22: {  	s16 =	sxor.u32 @!p1 $0xFFFFFFFF, s11;
	s17 =	smul.u32 @!p1 $0x380, s10  }
0x23: {  	s31 =	sadd.s32 $0xFFFFFFFF, s11;
	s16 =	sshll.u32 @!p1 s16, $0xD;
	s14 =	ssub.s32 @!p1 s14, s15  }
0x24: {  	s15 =	sand.u32 @!p1 $0x2000, s16;
	s16 =	sadd.s32 @!p1 s6, s17;
	s14 =	sshll.u32 @!p1 s14, $0x4  }
0x25: {  	s17 =	simm.s32 @!p1 $0x1C00;
	s14 =	sadd.s32 @!p1 s14, s16;
	s16 =	simm.s32 @!p1 $0x40  }
0x26: {  	[tilespmem:s15], [sflag:$0x1] =	stream.strided.gather @!p1 [hbm4b:s14+s16], $0x2000, s17, s16, $0x38;
	[tilespmem:$0x8080] =	vst v63  }
0x27: {  	p1 =	sge.u32 s31, s5  }
.Ltmp2:
0x28: {  	_ = 	snop;
	(pc) =	sbr.rel @p1 .LBB1_5-.Ltmp2, $1  }
0x29: {  	_ =	sdelay $0x3  }
0x2a: {  	s14 =	simm.s32 $0x1  }
0x2b: {  	_ =	swait.ge [sflag:s4], $0x2000;
	s14 =	simm.s32 @!p0 $0x0  }
0x2c: {  	[sflag:s4] =	ssyncset.done $0x0;
	s15 =	sshll.u32 s14, $0xD  }
0x2d: {  	[sflag:s4] =	ssyncadd.s32 $0xFFFFE000;
	s18 =	sor.u32 $0x20, s15  }
0x2e: {  	s14 =	smul.u32 $0x8100, s14;
	v3 =	vld [tilespmem:s18+$0x10]  }
0x2f: {  	s30 =	sand.u32 $0x1, s11;
	v2 =	vld [tilespmem:s18+$0xFFFFFFF0]  }
0x30: {  	s15 =	smul.u32 $0x8100, s30;
	s14 =	sshrl.u32 s14, $0x2;
	v0 =	vld [tilespmem:s18+$0x0]  }
0x31: {  	v1 =	vld [tilespmem:s18+$0xFFFFFFE0];
	s16 =	sor.u32 $0x4000, s14  }
0x32: {  	s31 =	sshrl.u32 s15, $0x2;
	s15 =	sadd.s32 $0x0, s16  }
0x33: {  	s17 =	simm.s32 $0x4;
	s18 =	sadd.s32 $0x40, s18;
	s14 =	sor.u32 $0x4000, s31;
	[tilespmem:s15+$0x1830 ss:$0x81] =	vst.msk $0xffff, v3  }
.LBB1_3:
0x34: {  	v3 =	vld [tilespmem:s18+$0x10];
	p1 =	sne.s32 s17, $0x1FC;
	[tilespmem:s15+$0x810 ss:$0x81] =	vst.msk $0xffff, v2;
	s19 =	smov.u32 s17;
	s17 =	sadd.s32 $0x4, s17  }
.Ltmp3:
0x35: {  	v2 =	vld [tilespmem:s18+$0xFFFFFFF0];
	[tilespmem:s15+$0x1020 ss:$0x81] =	vst.msk $0xffff, v0;
	(pc) =	sbr.rel @p1 .LBB1_3-.Ltmp3, $4  }
0x36: {  	v0 =	vld [tilespmem:s18+$0x0];
	[tilespmem:s15+$0x0 ss:$0x81] =	vst.msk $0xffff, v1  }
0x37: {  	s15 =	sshra.s32 s19, $0x2;
	v1 =	vld [tilespmem:s18+$0xFFFFFFE0]  }
0x38: {  	s15 =	sadd.s32 s15, s16  }
0x39: {  	s18 =	sadd.s32 $0x40, s18;
	[tilespmem:s15+$0x1830 ss:$0x81] =	vst.msk $0xffff, v3  }
.Ltmp4:
0x3a: {  	_ = 	snop;
	(pc) =	sbr.rel .LBB1_4-.Ltmp4, $1  }
0x3b: {  	_ =	sdelay $0x3  }
.LBB1_6:
0x3c: {  	_ =	sfence.sel $0x180000  }
0x3d: {  	s2 =	simm.s32 $0x1;
	[bflag:$0x0] =	sbarrier.arrive $0xFFFF  }
0x3e: {  	s31 =	simm.s32 $0x2;
	[sflag:s2] =	ssyncpa.u1 $0x1  }
0x3f: {  	[sflag:s31] =	ssyncpa.u1 $0x1  }
0x40: {  	p0 =	sne.s32 s0, $0x0;
	_ =	strace $0x9000004A  }
0x41: {  	s0 =	sadd.s32 @!p0 $0x100000, s1;
	[bflag:$0x2] =	sbarrier.arrive $0xFFFF  }
0x42: {  	[sflag:s0] =	ssyncadd.tile.s32 @!p0 $0x1;
	_ =	shalt  }
.Lfunc_end1:
_tile_overlayer_lowered:
.L_overlay_start_2:
0x43: {  	(tag) =	ssettag $0x2  }
0x44: {  	s0 =	rddreg [dreg:$0x0];
	s2 =	stileid.u32  }
0x45: {  	s1 =	rddreg [dreg:$0x1];
	p0 =	sne.s32 s2, $0x0  }
0x46: {  	s3 =	rddreg [dreg:$0x2];
	[bflag:$0x3] =	sbarrier.arrive $0xFFFF;
	s2 =	simm.s32 @!p0 $0x1C01  }
0x47: {  	[timem:s3], [sflag:s2] =	dma.local @!p0 [hbm:s0], s1  }
0x48: {  	s0 =	simm.s32 @!p0 $0x1  }
0x49: {  	_ =	swait.ge @!p0 [sflag:s0], s1  }
0x4a: {  	s1 =	ssub.s32 @!p0 $0x0, s1;
	[sflag:s0] =	ssyncset.done @!p0 $0x0  }
0x4b: {  	[sflag:s0] =	ssyncadd.s32 @!p0 s1  }
0x4c: {  	[bflag:$0x3] =	sbarrier.arrive $0xFFFF  }
0x4d: {  	_ =	shalt  }

</sc_bundles>
